<compile_context>
chip_gen: v7x
topology: tpu7x:2x2x1
jax: 0.10.2.dev20260603
libtpu: 0.0.44.dev20260713+nightly
codegen_flags: <defaults>
</compile_context>

<pallas_src>
import functools

import jax
import jax.numpy as jnp
from jax import lax
from jax.experimental import pallas as pl
from jax.experimental.pallas import tpu as pltpu
from jax.experimental.pallas import tpu_sc as plsc

N = 100000
DEG = 32
EMB = 128
SFW = 256
NSTEP = 5
WIN = 128
TAIL = N - WIN


def _win_base(root):
    return pl.multiple_of(
        jnp.minimum((root // WIN) * WIN, ((N - WIN) // WIN) * WIN), WIN)


def _ids_body(path_smem, ntT_hbm, tail_ref, ids_ref, win_v, sem):
    for s in range(NSTEP):
        root = path_smem[2 * s]
        pltpu.make_async_copy(
            ntT_hbm.at[:, pl.ds(_win_base(root), WIN)], win_v.at[s],
            sem).start()
    tail = tail_ref[...]
    for s in range(NSTEP):
        root = path_smem[2 * s]
        pltpu.make_async_copy(
            ntT_hbm.at[:, pl.ds(_win_base(root), WIN)], win_v.at[s],
            sem).wait()
        in_tail = root >= TAIL
        lane = root - jnp.where(in_tail, TAIL, _win_base(root))
        mask = lax.broadcasted_iota(jnp.int32, (DEG, WIN), 1) == lane
        block = jnp.where(in_tail, tail, win_v[s])
        ids_i = jnp.sum(jnp.where(mask, block, 0), axis=1).reshape(1, DEG)
        row = jnp.concatenate(
            [jnp.full((1, 1), root, jnp.int32), ids_i,
             jnp.zeros((1, 128 - 1 - DEG), jnp.int32)], axis=1)
        ids_ref[pl.ds(s, 1), :] = row


_ids_lookup = pl.pallas_call(
    _ids_body,
    in_specs=[pl.BlockSpec(memory_space=pltpu.SMEM),
              pl.BlockSpec(memory_space=pl.ANY),
              pl.BlockSpec(memory_space=pltpu.VMEM)],
    out_shape=jax.ShapeDtypeStruct((8, 128), jnp.int32),
    scratch_shapes=[pltpu.VMEM((NSTEP, DEG, WIN), jnp.int32),
                    pltpu.SemaphoreType.DMA],
    compiler_params=pltpu.CompilerParams(
        allow_input_fusion=[False, False, True]),
)


@functools.cache
def _make_sc_gather():
    mesh = plsc.VectorSubcoreMesh(core_axis_name="c", subcore_axis_name="s",
                                  num_cores=1)

    @functools.partial(
        pl.kernel,
        out_type=jax.ShapeDtypeStruct((8 * 2 * EMB,), jnp.float32),
        mesh=mesh,
        scratch_types=[
            pltpu.VMEM((128,), jnp.int32),
            pltpu.VMEM((1 + DEG, EMB), jnp.float32),
            pltpu.VMEM((2 * EMB,), jnp.float32),
            pltpu.SemaphoreType.DMA,
        ],
        compiler_params=pltpu.CompilerParams(use_tc_tiling_on_sc=False),
    )
    def sc_gather(ids_hbm, emb_hbm, out_hbm, ids_v, rows_v, feat_v, sem):
        w = lax.axis_index("s")

        @pl.when(w < NSTEP)
        def _():
            pltpu.sync_copy(ids_hbm.at[w], ids_v)
            pltpu.async_copy(
                emb_hbm.at[ids_v.at[pl.ds(0, 1 + DEG)]], rows_v, sem).wait()

            def _row(r, accs):
                return tuple(
                    acc + rows_v[r, pl.ds(16 * c, 16)]
                    for c, acc in enumerate(accs))

            accs = tuple(
                rows_v[1, pl.ds(16 * c, 16)] for c in range(EMB // 16))
            accs = lax.fori_loop(2, 1 + DEG, _row, accs)
            for c in range(EMB // 16):
                feat_v[pl.ds(16 * c, 16)] = rows_v[0, pl.ds(16 * c, 16)]
                feat_v[pl.ds(EMB + 16 * c, 16)] = accs[c] * (1.0 / DEG)
            pltpu.sync_copy(feat_v, out_hbm.at[pl.ds(w * 2 * EMB, 2 * EMB)])

    return sc_gather


def _tc_body(feats_ref, wgc_ref, bgc_ref, wk_ref, wr_ref, bl_ref,
             w1t_ref, b1_ref, w2_ref, b2_ref, w3t_ref, b3_ref, out_ref):
    wgc = wgc_ref[...]
    bgc = bgc_ref[...]
    wk = wk_ref[...]
    wr = wr_ref[...]
    bl = bl_ref[...]
    h = jnp.zeros((1, SFW), jnp.float32)
    c = jnp.zeros((1, SFW), jnp.float32)
    for s in range(NSTEP):
        feat = feats_ref[pl.ds(s * 2 * EMB, 2 * EMB)].reshape(1, 2 * EMB)
        ent = jnp.maximum(
            jnp.dot(feat, wgc, preferred_element_type=jnp.float32) + bgc, 0.0)
        z = (jnp.dot(ent, wk, preferred_element_type=jnp.float32)
             + jnp.dot(h, wr, preferred_element_type=jnp.float32) + bl)
        i_g = jax.nn.sigmoid(z[:, 0:SFW])
        f_g = jax.nn.sigmoid(z[:, SFW:2 * SFW])
        g_g = jnp.tanh(z[:, 2 * SFW:3 * SFW])
        o_g = jax.nn.sigmoid(z[:, 3 * SFW:4 * SFW])
        c = f_g * c + i_g * g_g
        h = o_g * jnp.tanh(c)
    dims = (((1,), (1,)), ((), ()))
    x = jnp.maximum(
        lax.dot_general(h, w1t_ref[...], dims,
                        preferred_element_type=jnp.float32) + b1_ref[...], 0.0)
    x = jnp.maximum(
        jnp.dot(x, w2_ref[...], preferred_element_type=jnp.float32)
        + b2_ref[...], 0.0)
    logits = (lax.dot_general(x, w3t_ref[...], dims,
                              preferred_element_type=jnp.float32)
              + b3_ref[...])
    m = jnp.max(logits)
    e = jnp.exp(logits - m)
    out_ref[...] = e / jnp.sum(e)


_tc_forward = pl.pallas_call(
    _tc_body,
    out_shape=jax.ShapeDtypeStruct((1, 2), jnp.float32),
)


def kernel(path, neighbor_table, emb, W_gc, b_gc, lstm_kernel, lstm_rec,
           lstm_bias, W1, b1, W2, b2, W3, b3):
    ntT = neighbor_table.T
    ids = _ids_lookup(path, ntT, lax.slice(ntT, (0, TAIL), (DEG, N)))
    feats = _make_sc_gather()(ids, emb)
    out = _tc_forward(feats, W_gc, b_gc[None, :], lstm_kernel, lstm_rec,
                      lstm_bias[None, :], W1.T, b1[None, :], W2,
                      b2[None, :], W3.T, b3[None, :])
    return out[0]

# --- scband reference (transcript-rebuilt; emitter-appended) ---
"""Pipeline reference for scband-graph-sagereasoner-58067957842154 (READ-ONLY COPY).

The authoritative reference and input builder live on the scoring server;
editing this copy changes nothing except your own understanding.
"""

import jax, jax.numpy as jnp
import numpy as np

N = 100000
DEG = 32
EMB = 128
SFW = 256
PATH_LEN = 9


def setup_inputs(seed: int = 0):
    key = jax.random.key(seed)
    ks = jax.random.split(key, 14)
    path = jax.random.randint(ks[0], (PATH_LEN,), 0, N, dtype=jnp.int32)
    neighbor_table = jax.random.randint(ks[1], (N, DEG), 0, N, dtype=jnp.int32)
    emb = jax.random.normal(ks[2], (N, EMB), dtype=jnp.float32) * 0.1
    W_gc = jax.random.normal(ks[3], (2 * EMB, SFW), dtype=jnp.float32) / np.sqrt(2 * EMB)
    b_gc = jnp.zeros((SFW,), jnp.float32)
    lstm_kernel = jax.random.normal(ks[4], (SFW, 4 * SFW), dtype=jnp.float32) / np.sqrt(SFW)
    lstm_rec = jax.random.normal(ks[5], (SFW, 4 * SFW), dtype=jnp.float32) / np.sqrt(SFW)
    lstm_bias = jnp.zeros((4 * SFW,), jnp.float32)
    W1 = jax.random.normal(ks[6], (SFW, 400), dtype=jnp.float32) / np.sqrt(SFW)
    b1 = jnp.zeros((400,), jnp.float32)
    W2 = jax.random.normal(ks[7], (400, 400), dtype=jnp.float32) / np.sqrt(400)
    b2 = jnp.zeros((400,), jnp.float32)
    W3 = jax.random.normal(ks[8], (400, 2), dtype=jnp.float32) / np.sqrt(400)
    b3 = jnp.zeros((2,), jnp.float32)
    return {"path": path, "neighbor_table": neighbor_table, "emb": emb,
            "W_gc": W_gc, "b_gc": b_gc,
            "lstm_kernel": lstm_kernel, "lstm_rec": lstm_rec, "lstm_bias": lstm_bias,
            "W1": W1, "b1": b1, "W2": W2, "b2": b2, "W3": W3, "b3": b3}


def reference(path, neighbor_table, emb, W_gc, b_gc, lstm_kernel, lstm_rec, lstm_bias, W1, b1, W2, b2, W3, b3):
    h = jnp.zeros((1, SFW), jnp.float32)
    c = jnp.zeros((1, SFW), jnp.float32)
    for i in range(0, PATH_LEN, 2):
        root = path[i]
        self_emb = jnp.take(emb, root, axis=0)                      # [EMB]
        nbrs = jnp.take(neighbor_table, root, axis=0)               # [DEG] sampled-neighbor ids
        nbr_feat = jnp.mean(jnp.take(emb, nbrs, axis=0), axis=0)    # vertical mean aggregation [EMB]
        feat = jnp.concatenate([self_emb, nbr_feat])[None, :]       # [1, 2*EMB]
        ent = jax.nn.relu(feat @ W_gc + b_gc)                       # GraphConv -> [1, SFW]
        z = ent @ lstm_kernel + h @ lstm_rec + lstm_bias            # keras LSTMCell, gate order i,f,c,o
        i_g, f_g, g_g, o_g = jnp.split(z, 4, axis=1)
        i_g = jax.nn.sigmoid(i_g)
        f_g = jax.nn.sigmoid(f_g)
        g_g = jnp.tanh(g_g)
        o_g = jax.nn.sigmoid(o_g)
        c = f_g * c + i_g * g_g
        h = o_g * jnp.tanh(c)
    x = jax.nn.relu(h @ W1 + b1)
    x = jax.nn.relu(x @ W2 + b2)
    probs = jax.nn.softmax(x @ W3 + b3, axis=-1)
    return probs[0]

if __name__ == "__main__":
    import jax
    _d = setup_inputs()
    print(jax.jit(kernel)(*tuple(_d.values())))

</pallas_src>

<mosaic_0001>
#map = affine_map<(d0, d1) -> (0, 0)>
#map1 = affine_map<(d0, d1) -> (0)>
module attributes {stable_mosaic.version = 14 : i64} {
  func.func @sc_gather(%arg0: i32, %arg1: i32, %arg2: memref<8x128xi32, #tpu.memory_space<hbm>>, %arg3: memref<100000x128xf32, #tpu.memory_space<hbm>>, %arg4: memref<2048xf32, #tpu.memory_space<hbm>>, %arg5: memref<128xi32, #tpu.memory_space<vmem>>, %arg6: memref<33x128xf32, #tpu.memory_space<vmem>>, %arg7: memref<256xf32, #tpu.memory_space<vmem>>, %arg8: memref<!tpu.dma_semaphore, #tpu.memory_space<semaphore_mem>>) attributes {dimension_semantics = [#tpu.dimension_semantics<core_parallel>, #tpu.dimension_semantics<subcore_parallel>], iteration_bounds = array<i64: 1, 16>, scalar_prefetch = 0 : i64, scratch_operands = 4 : i64, tpu.core_type = #tpu.core_type<sc_vector_subcore>, window_params = [{transform_indices = #map}, {transform_indices = #map}, {transform_indices = #map1}]} {
    %lt3A = arith.constant 5 : i32
    %lt3A_0 = arith.cmpi slt, %arg1, %lt3A : i32
    %convert_element_type3A = arith.extui %lt3A_0 : i1 to i32
    %cond3A = arith.constant 0 : i32
    %cond3A_1 = arith.cmpi ne, %convert_element_type3A, %cond3A : i32
    scf.if %cond3A_1 {
      "tpu.region"() ({
        %run_scoped3A = tpu.sem_alloc : memref<!tpu.dma_semaphore, #tpu.memory_space<semaphore_mem>>
        %dma_start3A_184 = arith.constant 0 : i32
        %dma_start3A_185 = tpu.memref_slice %arg2[%arg1, %dma_start3A_184] : memref<8x128xi32, #tpu.memory_space<hbm>> -> memref<1x128xi32, #tpu.memory_space<hbm>>
        %dma_start3A_186 = tpu.memref_squeeze %dma_start3A_185 : memref<1x128xi32, #tpu.memory_space<hbm>> -> memref<128xi32, #tpu.memory_space<hbm>>
        %dma_start3A_187 = arith.constant 0 : i32
        %dma_start3A_188 = tpu.memref_slice %arg2[%arg1, %dma_start3A_187] : memref<8x128xi32, #tpu.memory_space<hbm>> -> memref<1x128xi32, #tpu.memory_space<hbm>>
        %dma_start3A_189 = tpu.memref_squeeze %dma_start3A_188 : memref<1x128xi32, #tpu.memory_space<hbm>> -> memref<128xi32, #tpu.memory_space<hbm>>
        tpu.enqueue_dma source(%dma_start3A_189 : memref<128xi32, #tpu.memory_space<hbm>>) target(%arg5 : memref<128xi32, #tpu.memory_space<vmem>>) target_semaphore(%run_scoped3A : memref<!tpu.dma_semaphore, #tpu.memory_space<semaphore_mem>>)
        %dma_wait3A_190 = arith.constant 0 : i32
        %dma_wait3A_191 = tpu.memref_slice %arg2[%arg1, %dma_wait3A_190] : memref<8x128xi32, #tpu.memory_space<hbm>> -> memref<1x128xi32, #tpu.memory_space<hbm>>
        %dma_wait3A_192 = tpu.memref_squeeze %dma_wait3A_191 : memref<1x128xi32, #tpu.memory_space<hbm>> -> memref<128xi32, #tpu.memory_space<hbm>>
        %dma_wait3A_193 = arith.constant 0 : i32
        %dma_wait3A_194 = tpu.memref_slice %arg2[%arg1, %dma_wait3A_193] : memref<8x128xi32, #tpu.memory_space<hbm>> -> memref<1x128xi32, #tpu.memory_space<hbm>>
        %dma_wait3A_195 = tpu.memref_squeeze %dma_wait3A_194 : memref<1x128xi32, #tpu.memory_space<hbm>> -> memref<128xi32, #tpu.memory_space<hbm>>
        tpu.wait_dma2 semaphore(%run_scoped3A : memref<!tpu.dma_semaphore, #tpu.memory_space<semaphore_mem>>) src(%dma_wait3A_195 : memref<128xi32, #tpu.memory_space<hbm>>) dst(%arg5 : memref<128xi32, #tpu.memory_space<vmem>>)
        tpu.yield
      }) : () -> ()
      %dma_start3A = arith.constant 0 : i32
      %dma_start3A_2 = tpu.memref_slice %arg5[%dma_start3A] : memref<128xi32, #tpu.memory_space<vmem>> -> memref<33xi32, #tpu.memory_space<vmem>>
      %dma_start3A_3 = arith.constant 0 : i32
      %dma_start3A_4 = arith.constant 0 : i32
      %dma_start3A_5 = tpu.memref_slice %arg3[%dma_start3A_3, %dma_start3A_4] : memref<100000x128xf32, #tpu.memory_space<hbm>> -> memref<100000x128xf32, #tpu.memory_space<hbm>>
      tpu.enqueue_indirect_dma source(%dma_start3A_5 : memref<100000x128xf32, #tpu.memory_space<hbm>>) target(%arg6 : memref<33x128xf32, #tpu.memory_space<vmem>>) offsets(%dma_start3A_2 : memref<33xi32, #tpu.memory_space<vmem>>) semaphore(%arg8 : memref<!tpu.dma_semaphore, #tpu.memory_space<semaphore_mem>>)
      %dma_wait3A = arith.constant 0 : i32
      %dma_wait3A_6 = tpu.memref_slice %arg5[%dma_wait3A] : memref<128xi32, #tpu.memory_space<vmem>> -> memref<33xi32, #tpu.memory_space<vmem>>
      %dma_wait3A_7 = arith.constant 0 : i32
      %dma_wait3A_8 = arith.constant 0 : i32
      %dma_wait3A_9 = tpu.memref_slice %arg3[%dma_wait3A_7, %dma_wait3A_8] : memref<100000x128xf32, #tpu.memory_space<hbm>> -> memref<100000x128xf32, #tpu.memory_space<hbm>>
      tpu.wait_indirect_dma semaphore(%arg8 : memref<!tpu.dma_semaphore, #tpu.memory_space<semaphore_mem>>) src(%dma_wait3A_9 : memref<100000x128xf32, #tpu.memory_space<hbm>>) dst(%arg6 : memref<33x128xf32, #tpu.memory_space<vmem>>)
      %get3A = arith.constant 1 : i32
      %get3A_10 = arith.index_cast %get3A : i32 to index
      %get3A_11 = arith.constant 0 : index
      %get3A_12 = tpu.vector_load %arg6[%get3A_10, %get3A_11] {strides = array<i32>} : memref<33x128xf32, #tpu.memory_space<vmem>>, vector<1x16xf32>,
      %get3A_13 = vector.shape_cast %get3A_12 : vector<1x16xf32> to vector<16xf32>
      %get3A_14 = arith.constant 1 : i32
      %get3A_15 = arith.index_cast %get3A_14 : i32 to index
      %get3A_16 = arith.constant 16 : index
      %get3A_17 = tpu.vector_load %arg6[%get3A_15, %get3A_16] {strides = array<i32>} : memref<33x128xf32, #tpu.memory_space<vmem>>, vector<1x16xf32>,
      %get3A_18 = vector.shape_cast %get3A_17 : vector<1x16xf32> to vector<16xf32>
      %get3A_19 = arith.constant 1 : i32
      %get3A_20 = arith.index_cast %get3A_19 : i32 to index
      %get3A_21 = arith.constant 32 : index
      %get3A_22 = tpu.vector_load %arg6[%get3A_20, %get3A_21] {strides = array<i32>} : memref<33x128xf32, #tpu.memory_space<vmem>>, vector<1x16xf32>,
      %get3A_23 = vector.shape_cast %get3A_22 : vector<1x16xf32> to vector<16xf32>
      %get3A_24 = arith.constant 1 : i32
      %get3A_25 = arith.index_cast %get3A_24 : i32 to index
      %get3A_26 = arith.constant 48 : index
      %get3A_27 = tpu.vector_load %arg6[%get3A_25, %get3A_26] {strides = array<i32>} : memref<33x128xf32, #tpu.memory_space<vmem>>, vector<1x16xf32>,
      %get3A_28 = vector.shape_cast %get3A_27 : vector<1x16xf32> to vector<16xf32>
      %get3A_29 = arith.constant 1 : i32
      %get3A_30 = arith.index_cast %get3A_29 : i32 to index
      %get3A_31 = arith.constant 64 : index
      %get3A_32 = tpu.vector_load %arg6[%get3A_30, %get3A_31] {strides = array<i32>} : memref<33x128xf32, #tpu.memory_space<vmem>>, vector<1x16xf32>,
      %get3A_33 = vector.shape_cast %get3A_32 : vector<1x16xf32> to vector<16xf32>
      %get3A_34 = arith.constant 1 : i32
      %get3A_35 = arith.index_cast %get3A_34 : i32 to index
      %get3A_36 = arith.constant 80 : index
      %get3A_37 = tpu.vector_load %arg6[%get3A_35, %get3A_36] {strides = array<i32>} : memref<33x128xf32, #tpu.memory_space<vmem>>, vector<1x16xf32>,
      %get3A_38 = vector.shape_cast %get3A_37 : vector<1x16xf32> to vector<16xf32>
      %get3A_39 = arith.constant 1 : i32
      %get3A_40 = arith.index_cast %get3A_39 : i32 to index
      %get3A_41 = arith.constant 96 : index
      %get3A_42 = tpu.vector_load %arg6[%get3A_40, %get3A_41] {strides = array<i32>} : memref<33x128xf32, #tpu.memory_space<vmem>>, vector<1x16xf32>,
      %get3A_43 = vector.shape_cast %get3A_42 : vector<1x16xf32> to vector<16xf32>
      %get3A_44 = arith.constant 1 : i32
      %get3A_45 = arith.index_cast %get3A_44 : i32 to index
      %get3A_46 = arith.constant 112 : index
      %get3A_47 = tpu.vector_load %arg6[%get3A_45, %get3A_46] {strides = array<i32>} : memref<33x128xf32, #tpu.memory_space<vmem>>, vector<1x16xf32>,
      %get3A_48 = vector.shape_cast %get3A_47 : vector<1x16xf32> to vector<16xf32>
      %scan3A = arith.constant 2 : i32
      %scan3A_49 = arith.constant 31 : i32
      %scan3A_50 = arith.addi %scan3A, %scan3A_49 : i32
      %scan3A_51 = arith.constant 1 : i32
      %scan3A_52:8 = scf.for %scan3A_184 = %scan3A to %scan3A_50 step %scan3A_51 iter_args(%scan3A_185 = %get3A_13, %scan3A_186 = %get3A_18, %scan3A_187 = %get3A_23, %scan3A_188 = %get3A_28, %scan3A_189 = %get3A_33, %scan3A_190 = %get3A_38, %scan3A_191 = %get3A_43, %scan3A_192 = %get3A_48) -> (vector<16xf32>, vector<16xf32>, vector<16xf32>, vector<16xf32>, vector<16xf32>, vector<16xf32>, vector<16xf32>, vector<16xf32>)  : i32 {
        %get3A_193 = arith.index_cast %scan3A_184 : i32 to index
        %get3A_194 = arith.constant 0 : index
        %get3A_195 = tpu.vector_load %arg6[%get3A_193, %get3A_194] {strides = array<i32>} : memref<33x128xf32, #tpu.memory_space<vmem>>, vector<1x16xf32>,
        %get3A_196 = vector.shape_cast %get3A_195 : vector<1x16xf32> to vector<16xf32>
        %add3A = arith.addf %scan3A_185, %get3A_196 : vector<16xf32>
        %get3A_197 = arith.index_cast %scan3A_184 : i32 to index
        %get3A_198 = arith.constant 16 : index
        %get3A_199 = tpu.vector_load %arg6[%get3A_197, %get3A_198] {strides = array<i32>} : memref<33x128xf32, #tpu.memory_space<vmem>>, vector<1x16xf32>,
        %get3A_200 = vector.shape_cast %get3A_199 : vector<1x16xf32> to vector<16xf32>
        %add3A_201 = arith.addf %scan3A_186, %get3A_200 : vector<16xf32>
        %get3A_202 = arith.index_cast %scan3A_184 : i32 to index
        %get3A_203 = arith.constant 32 : index
        %get3A_204 = tpu.vector_load %arg6[%get3A_202, %get3A_203] {strides = array<i32>} : memref<33x128xf32, #tpu.memory_space<vmem>>, vector<1x16xf32>,
        %get3A_205 = vector.shape_cast %get3A_204 : vector<1x16xf32> to vector<16xf32>
        %add3A_206 = arith.addf %scan3A_187, %get3A_205 : vector<16xf32>
        %get3A_207 = arith.index_cast %scan3A_184 : i32 to index
        %get3A_208 = arith.constant 48 : index
        %get3A_209 = tpu.vector_load %arg6[%get3A_207, %get3A_208] {strides = array<i32>} : memref<33x128xf32, #tpu.memory_space<vmem>>, vector<1x16xf32>,
        %get3A_210 = vector.shape_cast %get3A_209 : vector<1x16xf32> to vector<16xf32>
        %add3A_211 = arith.addf %scan3A_188, %get3A_210 : vector<16xf32>
        %get3A_212 = arith.index_cast %scan3A_184 : i32 to index
        %get3A_213 = arith.constant 64 : index
        %get3A_214 = tpu.vector_load %arg6[%get3A_212, %get3A_213] {strides = array<i32>} : memref<33x128xf32, #tpu.memory_space<vmem>>, vector<1x16xf32>,
        %get3A_215 = vector.shape_cast %get3A_214 : vector<1x16xf32> to vector<16xf32>
        %add3A_216 = arith.addf %scan3A_189, %get3A_215 : vector<16xf32>
        %get3A_217 = arith.index_cast %scan3A_184 : i32 to index
        %get3A_218 = arith.constant 80 : index
        %get3A_219 = tpu.vector_load %arg6[%get3A_217, %get3A_218] {strides = array<i32>} : memref<33x128xf32, #tpu.memory_space<vmem>>, vector<1x16xf32>,
        %get3A_220 = vector.shape_cast %get3A_219 : vector<1x16xf32> to vector<16xf32>
        %add3A_221 = arith.addf %scan3A_190, %get3A_220 : vector<16xf32>
        %get3A_222 = arith.index_cast %scan3A_184 : i32 to index
        %get3A_223 = arith.constant 96 : index
        %get3A_224 = tpu.vector_load %arg6[%get3A_222, %get3A_223] {strides = array<i32>} : memref<33x128xf32, #tpu.memory_space<vmem>>, vector<1x16xf32>,
        %get3A_225 = vector.shape_cast %get3A_224 : vector<1x16xf32> to vector<16xf32>
        %add3A_226 = arith.addf %scan3A_191, %get3A_225 : vector<16xf32>
        %get3A_227 = arith.index_cast %scan3A_184 : i32 to index
        %get3A_228 = arith.constant 112 : index
        %get3A_229 = tpu.vector_load %arg6[%get3A_227, %get3A_228] {strides = array<i32>} : memref<33x128xf32, #tpu.memory_space<vmem>>, vector<1x16xf32>,
        %get3A_230 = vector.shape_cast %get3A_229 : vector<1x16xf32> to vector<16xf32>
        %add3A_231 = arith.addf %scan3A_192, %get3A_230 : vector<16xf32>
        scf.yield %add3A, %add3A_201, %add3A_206, %add3A_211, %add3A_216, %add3A_221, %add3A_226, %add3A_231 : vector<16xf32>, vector<16xf32>, vector<16xf32>, vector<16xf32>, vector<16xf32>, vector<16xf32>, vector<16xf32>, vector<16xf32>
      }
      %scan3A_53 = arith.constant 31 : i32
      %get3A_54 = arith.constant 0 : i32
      %get3A_55 = arith.index_cast %get3A_54 : i32 to index
      %get3A_56 = arith.constant 0 : index
      %get3A_57 = tpu.vector_load %arg6[%get3A_55, %get3A_56] {strides = array<i32>} : memref<33x128xf32, #tpu.memory_space<vmem>>, vector<1x16xf32>,
      %get3A_58 = vector.shape_cast %get3A_57 : vector<1x16xf32> to vector<16xf32>
      %swap3A = arith.constant 0 : index
      %swap3A_59 = tpu.vector_load %arg7[%swap3A] {strides = array<i32>} : memref<256xf32, #tpu.memory_space<vmem>>, vector<16xf32>,
      %swap3A_60 = vector.shape_cast %swap3A_59 : vector<16xf32> to vector<16xf32>
      %swap3A_61 = vector.shape_cast %get3A_58 : vector<16xf32> to vector<16xf32>
      tpu.vector_store %arg7[%swap3A], %swap3A_61 {strides = array<i32>} : memref<256xf32, #tpu.memory_space<vmem>>, vector<16xf32>,
      %mul3A = arith.constant 3.125000e-02 : f32
      %mul3A_62 = vector.broadcast %mul3A : f32 to vector<16xf32>
      %mul3A_63 = arith.mulf %scan3A_52#0, %mul3A_62 : vector<16xf32>
      %swap3A_64 = arith.constant 128 : index
      %swap3A_65 = tpu.vector_load %arg7[%swap3A_64] {strides = array<i32>} : memref<256xf32, #tpu.memory_space<vmem>>, vector<16xf32>,
      %swap3A_66 = vector.shape_cast %swap3A_65 : vector<16xf32> to vector<16xf32>
      %swap3A_67 = vector.shape_cast %mul3A_63 : vector<16xf32> to vector<16xf32>
      tpu.vector_store %arg7[%swap3A_64], %swap3A_67 {strides = array<i32>} : memref<256xf32, #tpu.memory_space<vmem>>, vector<16xf32>,
      %get3A_68 = arith.constant 0 : i32
      %get3A_69 = arith.index_cast %get3A_68 : i32 to index
      %get3A_70 = arith.constant 16 : index
      %get3A_71 = tpu.vector_load %arg6[%get3A_69, %get3A_70] {strides = array<i32>} : memref<33x128xf32, #tpu.memory_space<vmem>>, vector<1x16xf32>,
      %get3A_72 = vector.shape_cast %get3A_71 : vector<1x16xf32> to vector<16xf32>
      %swap3A_73 = arith.constant 16 : index
      %swap3A_74 = tpu.vector_load %arg7[%swap3A_73] {strides = array<i32>} : memref<256xf32, #tpu.memory_space<vmem>>, vector<16xf32>,
      %swap3A_75 = vector.shape_cast %swap3A_74 : vector<16xf32> to vector<16xf32>
      %swap3A_76 = vector.shape_cast %get3A_72 : vector<16xf32> to vector<16xf32>
      tpu.vector_store %arg7[%swap3A_73], %swap3A_76 {strides = array<i32>} : memref<256xf32, #tpu.memory_space<vmem>>, vector<16xf32>,
      %mul3A_77 = arith.constant 3.125000e-02 : f32
      %mul3A_78 = vector.broadcast %mul3A_77 : f32 to vector<16xf32>
      %mul3A_79 = arith.mulf %scan3A_52#1, %mul3A_78 : vector<16xf32>
      %swap3A_80 = arith.constant 144 : index
      %swap3A_81 = tpu.vector_load %arg7[%swap3A_80] {strides = array<i32>} : memref<256xf32, #tpu.memory_space<vmem>>, vector<16xf32>,
      %swap3A_82 = vector.shape_cast %swap3A_81 : vector<16xf32> to vector<16xf32>
      %swap3A_83 = vector.shape_cast %mul3A_79 : vector<16xf32> to vector<16xf32>
      tpu.vector_store %arg7[%swap3A_80], %swap3A_83 {strides = array<i32>} : memref<256xf32, #tpu.memory_space<vmem>>, vector<16xf32>,
      %get3A_84 = arith.constant 0 : i32
      %get3A_85 = arith.index_cast %get3A_84 : i32 to index
      %get3A_86 = arith.constant 32 : index
      %get3A_87 = tpu.vector_load %arg6[%get3A_85, %get3A_86] {strides = array<i32>} : memref<33x128xf32, #tpu.memory_space<vmem>>, vector<1x16xf32>,
      %get3A_88 = vector.shape_cast %get3A_87 : vector<1x16xf32> to vector<16xf32>
      %swap3A_89 = arith.constant 32 : index
      %swap3A_90 = tpu.vector_load %arg7[%swap3A_89] {strides = array<i32>} : memref<256xf32, #tpu.memory_space<vmem>>, vector<16xf32>,
      %swap3A_91 = vector.shape_cast %swap3A_90 : vector<16xf32> to vector<16xf32>
      %swap3A_92 = vector.shape_cast %get3A_88 : vector<16xf32> to vector<16xf32>
      tpu.vector_store %arg7[%swap3A_89], %swap3A_92 {strides = array<i32>} : memref<256xf32, #tpu.memory_space<vmem>>, vector<16xf32>,
      %mul3A_93 = arith.constant 3.125000e-02 : f32
      %mul3A_94 = vector.broadcast %mul3A_93 : f32 to vector<16xf32>
      %mul3A_95 = arith.mulf %scan3A_52#2, %mul3A_94 : vector<16xf32>
      %swap3A_96 = arith.constant 160 : index
      %swap3A_97 = tpu.vector_load %arg7[%swap3A_96] {strides = array<i32>} : memref<256xf32, #tpu.memory_space<vmem>>, vector<16xf32>,
      %swap3A_98 = vector.shape_cast %swap3A_97 : vector<16xf32> to vector<16xf32>
      %swap3A_99 = vector.shape_cast %mul3A_95 : vector<16xf32> to vector<16xf32>
      tpu.vector_store %arg7[%swap3A_96], %swap3A_99 {strides = array<i32>} : memref<256xf32, #tpu.memory_space<vmem>>, vector<16xf32>,
      %get3A_100 = arith.constant 0 : i32
      %get3A_101 = arith.index_cast %get3A_100 : i32 to index
      %get3A_102 = arith.constant 48 : index
      %get3A_103 = tpu.vector_load %arg6[%get3A_101, %get3A_102] {strides = array<i32>} : memref<33x128xf32, #tpu.memory_space<vmem>>, vector<1x16xf32>,
      %get3A_104 = vector.shape_cast %get3A_103 : vector<1x16xf32> to vector<16xf32>
      %swap3A_105 = arith.constant 48 : index
      %swap3A_106 = tpu.vector_load %arg7[%swap3A_105] {strides = array<i32>} : memref<256xf32, #tpu.memory_space<vmem>>, vector<16xf32>,
      %swap3A_107 = vector.shape_cast %swap3A_106 : vector<16xf32> to vector<16xf32>
      %swap3A_108 = vector.shape_cast %get3A_104 : vector<16xf32> to vector<16xf32>
      tpu.vector_store %arg7[%swap3A_105], %swap3A_108 {strides = array<i32>} : memref<256xf32, #tpu.memory_space<vmem>>, vector<16xf32>,
      %mul3A_109 = arith.constant 3.125000e-02 : f32
      %mul3A_110 = vector.broadcast %mul3A_109 : f32 to vector<16xf32>
      %mul3A_111 = arith.mulf %scan3A_52#3, %mul3A_110 : vector<16xf32>
      %swap3A_112 = arith.constant 176 : index
      %swap3A_113 = tpu.vector_load %arg7[%swap3A_112] {strides = array<i32>} : memref<256xf32, #tpu.memory_space<vmem>>, vector<16xf32>,
      %swap3A_114 = vector.shape_cast %swap3A_113 : vector<16xf32> to vector<16xf32>
      %swap3A_115 = vector.shape_cast %mul3A_111 : vector<16xf32> to vector<16xf32>
      tpu.vector_store %arg7[%swap3A_112], %swap3A_115 {strides = array<i32>} : memref<256xf32, #tpu.memory_space<vmem>>, vector<16xf32>,
      %get3A_116 = arith.constant 0 : i32
      %get3A_117 = arith.index_cast %get3A_116 : i32 to index
      %get3A_118 = arith.constant 64 : index
      %get3A_119 = tpu.vector_load %arg6[%get3A_117, %get3A_118] {strides = array<i32>} : memref<33x128xf32, #tpu.memory_space<vmem>>, vector<1x16xf32>,
      %get3A_120 = vector.shape_cast %get3A_119 : vector<1x16xf32> to vector<16xf32>
      %swap3A_121 = arith.constant 64 : index
      %swap3A_122 = tpu.vector_load %arg7[%swap3A_121] {strides = array<i32>} : memref<256xf32, #tpu.memory_space<vmem>>, vector<16xf32>,
      %swap3A_123 = vector.shape_cast %swap3A_122 : vector<16xf32> to vector<16xf32>
      %swap3A_124 = vector.shape_cast %get3A_120 : vector<16xf32> to vector<16xf32>
      tpu.vector_store %arg7[%swap3A_121], %swap3A_124 {strides = array<i32>} : memref<256xf32, #tpu.memory_space<vmem>>, vector<16xf32>,
      %mul3A_125 = arith.constant 3.125000e-02 : f32
      %mul3A_126 = vector.broadcast %mul3A_125 : f32 to vector<16xf32>
      %mul3A_127 = arith.mulf %scan3A_52#4, %mul3A_126 : vector<16xf32>
      %swap3A_128 = arith.constant 192 : index
      %swap3A_129 = tpu.vector_load %arg7[%swap3A_128] {strides = array<i32>} : memref<256xf32, #tpu.memory_space<vmem>>, vector<16xf32>,
      %swap3A_130 = vector.shape_cast %swap3A_129 : vector<16xf32> to vector<16xf32>
      %swap3A_131 = vector.shape_cast %mul3A_127 : vector<16xf32> to vector<16xf32>
      tpu.vector_store %arg7[%swap3A_128], %swap3A_131 {strides = array<i32>} : memref<256xf32, #tpu.memory_space<vmem>>, vector<16xf32>,
      %get3A_132 = arith.constant 0 : i32
      %get3A_133 = arith.index_cast %get3A_132 : i32 to index
      %get3A_134 = arith.constant 80 : index
      %get3A_135 = tpu.vector_load %arg6[%get3A_133, %get3A_134] {strides = array<i32>} : memref<33x128xf32, #tpu.memory_space<vmem>>, vector<1x16xf32>,
      %get3A_136 = vector.shape_cast %get3A_135 : vector<1x16xf32> to vector<16xf32>
      %swap3A_137 = arith.constant 80 : index
      %swap3A_138 = tpu.vector_load %arg7[%swap3A_137] {strides = array<i32>} : memref<256xf32, #tpu.memory_space<vmem>>, vector<16xf32>,
      %swap3A_139 = vector.shape_cast %swap3A_138 : vector<16xf32> to vector<16xf32>
      %swap3A_140 = vector.shape_cast %get3A_136 : vector<16xf32> to vector<16xf32>
      tpu.vector_store %arg7[%swap3A_137], %swap3A_140 {strides = array<i32>} : memref<256xf32, #tpu.memory_space<vmem>>, vector<16xf32>,
      %mul3A_141 = arith.constant 3.125000e-02 : f32
      %mul3A_142 = vector.broadcast %mul3A_141 : f32 to vector<16xf32>
      %mul3A_143 = arith.mulf %scan3A_52#5, %mul3A_142 : vector<16xf32>
      %swap3A_144 = arith.constant 208 : index
      %swap3A_145 = tpu.vector_load %arg7[%swap3A_144] {strides = array<i32>} : memref<256xf32, #tpu.memory_space<vmem>>, vector<16xf32>,
      %swap3A_146 = vector.shape_cast %swap3A_145 : vector<16xf32> to vector<16xf32>
      %swap3A_147 = vector.shape_cast %mul3A_143 : vector<16xf32> to vector<16xf32>
      tpu.vector_store %arg7[%swap3A_144], %swap3A_147 {strides = array<i32>} : memref<256xf32, #tpu.memory_space<vmem>>, vector<16xf32>,
      %get3A_148 = arith.constant 0 : i32
      %get3A_149 = arith.index_cast %get3A_148 : i32 to index
      %get3A_150 = arith.constant 96 : index
      %get3A_151 = tpu.vector_load %arg6[%get3A_149, %get3A_150] {strides = array<i32>} : memref<33x128xf32, #tpu.memory_space<vmem>>, vector<1x16xf32>,
      %get3A_152 = vector.shape_cast %get3A_151 : vector<1x16xf32> to vector<16xf32>
      %swap3A_153 = arith.constant 96 : index
      %swap3A_154 = tpu.vector_load %arg7[%swap3A_153] {strides = array<i32>} : memref<256xf32, #tpu.memory_space<vmem>>, vector<16xf32>,
      %swap3A_155 = vector.shape_cast %swap3A_154 : vector<16xf32> to vector<16xf32>
      %swap3A_156 = vector.shape_cast %get3A_152 : vector<16xf32> to vector<16xf32>
      tpu.vector_store %arg7[%swap3A_153], %swap3A_156 {strides = array<i32>} : memref<256xf32, #tpu.memory_space<vmem>>, vector<16xf32>,
      %mul3A_157 = arith.constant 3.125000e-02 : f32
      %mul3A_158 = vector.broadcast %mul3A_157 : f32 to vector<16xf32>
      %mul3A_159 = arith.mulf %scan3A_52#6, %mul3A_158 : vector<16xf32>
      %swap3A_160 = arith.constant 224 : index
      %swap3A_161 = tpu.vector_load %arg7[%swap3A_160] {strides = array<i32>} : memref<256xf32, #tpu.memory_space<vmem>>, vector<16xf32>,
      %swap3A_162 = vector.shape_cast %swap3A_161 : vector<16xf32> to vector<16xf32>
      %swap3A_163 = vector.shape_cast %mul3A_159 : vector<16xf32> to vector<16xf32>
      tpu.vector_store %arg7[%swap3A_160], %swap3A_163 {strides = array<i32>} : memref<256xf32, #tpu.memory_space<vmem>>, vector<16xf32>,
      %get3A_164 = arith.constant 0 : i32
      %get3A_165 = arith.index_cast %get3A_164 : i32 to index
      %get3A_166 = arith.constant 112 : index
      %get3A_167 = tpu.vector_load %arg6[%get3A_165, %get3A_166] {strides = array<i32>} : memref<33x128xf32, #tpu.memory_space<vmem>>, vector<1x16xf32>,
      %get3A_168 = vector.shape_cast %get3A_167 : vector<1x16xf32> to vector<16xf32>
      %swap3A_169 = arith.constant 112 : index
      %swap3A_170 = tpu.vector_load %arg7[%swap3A_169] {strides = array<i32>} : memref<256xf32, #tpu.memory_space<vmem>>, vector<16xf32>,
      %swap3A_171 = vector.shape_cast %swap3A_170 : vector<16xf32> to vector<16xf32>
      %swap3A_172 = vector.shape_cast %get3A_168 : vector<16xf32> to vector<16xf32>
      tpu.vector_store %arg7[%swap3A_169], %swap3A_172 {strides = array<i32>} : memref<256xf32, #tpu.memory_space<vmem>>, vector<16xf32>,
      %mul3A_173 = arith.constant 3.125000e-02 : f32
      %mul3A_174 = vector.broadcast %mul3A_173 : f32 to vector<16xf32>
      %mul3A_175 = arith.mulf %scan3A_52#7, %mul3A_174 : vector<16xf32>
      %swap3A_176 = arith.constant 240 : index
      %swap3A_177 = tpu.vector_load %arg7[%swap3A_176] {strides = array<i32>} : memref<256xf32, #tpu.memory_space<vmem>>, vector<16xf32>,
      %swap3A_178 = vector.shape_cast %swap3A_177 : vector<16xf32> to vector<16xf32>
      %swap3A_179 = vector.shape_cast %mul3A_175 : vector<16xf32> to vector<16xf32>
      tpu.vector_store %arg7[%swap3A_176], %swap3A_179 {strides = array<i32>} : memref<256xf32, #tpu.memory_space<vmem>>, vector<16xf32>,
      %mul3A_180 = arith.constant 2 : i32
      %mul3A_181 = arith.muli %arg1, %mul3A_180 : i32
      %mul3A_182 = arith.constant 128 : i32
      %mul3A_183 = arith.muli %mul3A_181, %mul3A_182 : i32
      "tpu.region"() ({
        %run_scoped3A = tpu.sem_alloc : memref<!tpu.dma_semaphore, #tpu.memory_space<semaphore_mem>>
        %dma_start3A_184 = tpu.memref_slice %arg4[%mul3A_183] : memref<2048xf32, #tpu.memory_space<hbm>> -> memref<256xf32, #tpu.memory_space<hbm>>
        %dma_start3A_185 = tpu.memref_slice %arg4[%mul3A_183] : memref<2048xf32, #tpu.memory_space<hbm>> -> memref<256xf32, #tpu.memory_space<hbm>>
        tpu.enqueue_dma source(%arg7 : memref<256xf32, #tpu.memory_space<vmem>>) target(%dma_start3A_185 : memref<256xf32, #tpu.memory_space<hbm>>) target_semaphore(%run_scoped3A : memref<!tpu.dma_semaphore, #tpu.memory_space<semaphore_mem>>)
        %dma_wait3A_186 = tpu.memref_slice %arg4[%mul3A_183] : memref<2048xf32, #tpu.memory_space<hbm>> -> memref<256xf32, #tpu.memory_space<hbm>>
        %dma_wait3A_187 = tpu.memref_slice %arg4[%mul3A_183] : memref<2048xf32, #tpu.memory_space<hbm>> -> memref<256xf32, #tpu.memory_space<hbm>>
        tpu.wait_dma2 semaphore(%run_scoped3A : memref<!tpu.dma_semaphore, #tpu.memory_space<semaphore_mem>>) src(%arg7 : memref<256xf32, #tpu.memory_space<vmem>>) dst(%dma_wait3A_187 : memref<256xf32, #tpu.memory_space<hbm>>)
        tpu.yield
      }) : () -> ()
    } else {
    }
    return
  }
}

module attributes {stable_mosaic.version = 14 : i64} {
  func.func @_tc_body(%arg0: memref<2048xf32, #tpu.memory_space<vmem>>, %arg1: memref<256x256xf32, #tpu.memory_space<vmem>>, %arg2: memref<1x256xf32, #tpu.memory_space<vmem>>, %arg3: memref<256x1024xf32, #tpu.memory_space<vmem>>, %arg4: memref<256x1024xf32, #tpu.memory_space<vmem>>, %arg5: memref<1x1024xf32, #tpu.memory_space<vmem>>, %arg6: memref<400x256xf32, #tpu.memory_space<vmem>>, %arg7: memref<1x400xf32, #tpu.memory_space<vmem>>, %arg8: memref<400x400xf32, #tpu.memory_space<vmem>>, %arg9: memref<1x400xf32, #tpu.memory_space<vmem>>, %arg10: memref<2x400xf32, #tpu.memory_space<vmem>>, %arg11: memref<1x2xf32, #tpu.memory_space<vmem>>, %arg12: memref<1x2xf32, #tpu.memory_space<vmem>>) attributes {dimension_semantics = [], scalar_prefetch = 0 : i64, scratch_operands = 0 : i64, tpu.core_type = #tpu.core_type<tc>} {
    %get3A = arith.constant 0 : index
    %get3A_0 = arith.constant 0 : index
    %get3A_1 = vector.load %arg1[%get3A, %get3A_0] : memref<256x256xf32, #tpu.memory_space<vmem>>, vector<256x256xf32>
    %get3A_2 = arith.constant 0 : index
    %get3A_3 = arith.constant 0 : index
    %get3A_4 = vector.load %arg2[%get3A_2, %get3A_3] : memref<1x256xf32, #tpu.memory_space<vmem>>, vector<1x256xf32>
    %get3A_5 = arith.constant 0 : index
    %get3A_6 = arith.constant 0 : index
    %get3A_7 = vector.load %arg3[%get3A_5, %get3A_6] : memref<256x1024xf32, #tpu.memory_space<vmem>>, vector<256x1024xf32>
    %get3A_8 = arith.constant 0 : index
    %get3A_9 = arith.constant 0 : index
    %get3A_10 = vector.load %arg4[%get3A_8, %get3A_9] : memref<256x1024xf32, #tpu.memory_space<vmem>>, vector<256x1024xf32>
    %get3A_11 = arith.constant 0 : index
    %get3A_12 = arith.constant 0 : index
    %get3A_13 = vector.load %arg5[%get3A_11, %get3A_12] : memref<1x1024xf32, #tpu.memory_space<vmem>>, vector<1x1024xf32>
    %broadcast_in_dim3A = arith.constant 0.000000e+00 : f32
    %broadcast_in_dim3A_14 = vector.broadcast %broadcast_in_dim3A : f32 to vector<1x256xf32>
    %broadcast_in_dim3A_15 = arith.constant 0.000000e+00 : f32
    %broadcast_in_dim3A_16 = vector.broadcast %broadcast_in_dim3A_15 : f32 to vector<1x256xf32>
    %get3A_17 = arith.constant 0 : index
    %get3A_18 = vector.load %arg0[%get3A_17] : memref<2048xf32, #tpu.memory_space<vmem>>, vector<256xf32>
    %reshape3A = vector.shape_cast %get3A_18 : vector<256xf32> to vector<1x256xf32>
    %dot_general3A = arith.constant dense<0.000000e+00> : vector<1x256xf32>
    %dot_general3A_19 = tpu.matmul %reshape3A, %get3A_1, %dot_general3A {dimension_numbers = #tpu.dot_dimension_numbers<[1], [0], [0], [1], [0, 0, 1, 1], [], []>, transpose_lhs_hint = false} : vector<1x256xf32>, vector<256x256xf32>, vector<1x256xf32> -> vector<1x256xf32>
    %add3A = arith.addf %dot_general3A_19, %get3A_4 : vector<1x256xf32>
    %max3A = arith.constant 0.000000e+00 : f32
    %max3A_20 = vector.broadcast %max3A : f32 to vector<1x256xf32>
    %max3A_21 = arith.maximumf %add3A, %max3A_20 : vector<1x256xf32>
    %dot_general3A_22 = arith.constant dense<0.000000e+00> : vector<1x1024xf32>
    %dot_general3A_23 = tpu.matmul %max3A_21, %get3A_7, %dot_general3A_22 {dimension_numbers = #tpu.dot_dimension_numbers<[1], [0], [0], [1], [0, 0, 1, 1], [], []>, transpose_lhs_hint = false} : vector<1x256xf32>, vector<256x1024xf32>, vector<1x1024xf32> -> vector<1x1024xf32>
    %dot_general3A_24 = arith.constant dense<0.000000e+00> : vector<1x1024xf32>
    %dot_general3A_25 = tpu.matmul %broadcast_in_dim3A_14, %get3A_10, %dot_general3A_24 {dimension_numbers = #tpu.dot_dimension_numbers<[1], [0], [0], [1], [0, 0, 1, 1], [], []>, transpose_lhs_hint = false} : vector<1x256xf32>, vector<256x1024xf32>, vector<1x1024xf32> -> vector<1x1024xf32>
    %add3A_26 = arith.addf %dot_general3A_23, %dot_general3A_25 : vector<1x1024xf32>
    %add3A_27 = arith.addf %add3A_26, %get3A_13 : vector<1x1024xf32>
    %slice3A = vector.extract_strided_slice %add3A_27 {offsets = [0, 0], sizes = [1, 256], strides = [1, 1]} : vector<1x1024xf32> to vector<1x256xf32>
    %logistic3A = arith.negf %slice3A : vector<1x256xf32>
    %logistic3A_28 = math.exp %logistic3A : vector<1x256xf32>
    %logistic3A_29 = arith.constant 1.000000e+00 : f32
    %logistic3A_30 = vector.broadcast %logistic3A_29 : f32 to vector<1x256xf32>
    %logistic3A_31 = arith.addf %logistic3A_30, %logistic3A_28 : vector<1x256xf32>
    %logistic3A_32 = arith.divf %logistic3A_30, %logistic3A_31 : vector<1x256xf32>
    %slice3A_33 = vector.extract_strided_slice %add3A_27 {offsets = [0, 256], sizes = [1, 256], strides = [1, 1]} : vector<1x1024xf32> to vector<1x256xf32>
    %logistic3A_34 = arith.negf %slice3A_33 : vector<1x256xf32>
    %logistic3A_35 = math.exp %logistic3A_34 : vector<1x256xf32>
    %logistic3A_36 = arith.constant 1.000000e+00 : f32
    %logistic3A_37 = vector.broadcast %logistic3A_36 : f32 to vector<1x256xf32>
    %logistic3A_38 = arith.addf %logistic3A_37, %logistic3A_35 : vector<1x256xf32>
    %logistic3A_39 = arith.divf %logistic3A_37, %logistic3A_38 : vector<1x256xf32>
    %slice3A_40 = vector.extract_strided_slice %add3A_27 {offsets = [0, 512], sizes = [1, 256], strides = [1, 1]} : vector<1x1024xf32> to vector<1x256xf32>
    %tanh3A = math.tanh %slice3A_40 : vector<1x256xf32>
    %slice3A_41 = vector.extract_strided_slice %add3A_27 {offsets = [0, 768], sizes = [1, 256], strides = [1, 1]} : vector<1x1024xf32> to vector<1x256xf32>
    %logistic3A_42 = arith.negf %slice3A_41 : vector<1x256xf32>
    %logistic3A_43 = math.exp %logistic3A_42 : vector<1x256xf32>
    %logistic3A_44 = arith.constant 1.000000e+00 : f32
    %logistic3A_45 = vector.broadcast %logistic3A_44 : f32 to vector<1x256xf32>
    %logistic3A_46 = arith.addf %logistic3A_45, %logistic3A_43 : vector<1x256xf32>
    %logistic3A_47 = arith.divf %logistic3A_45, %logistic3A_46 : vector<1x256xf32>
    %mul3A = arith.mulf %logistic3A_39, %broadcast_in_dim3A_16 : vector<1x256xf32>
    %mul3A_48 = arith.mulf %logistic3A_32, %tanh3A : vector<1x256xf32>
    %add3A_49 = arith.addf %mul3A, %mul3A_48 : vector<1x256xf32>
    %tanh3A_50 = math.tanh %add3A_49 : vector<1x256xf32>
    %mul3A_51 = arith.mulf %logistic3A_47, %tanh3A_50 : vector<1x256xf32>
    %get3A_52 = arith.constant 256 : index
    %get3A_53 = vector.load %arg0[%get3A_52] : memref<2048xf32, #tpu.memory_space<vmem>>, vector<256xf32>
    %reshape3A_54 = vector.shape_cast %get3A_53 : vector<256xf32> to vector<1x256xf32>
    %dot_general3A_55 = arith.constant dense<0.000000e+00> : vector<1x256xf32>
    %dot_general3A_56 = tpu.matmul %reshape3A_54, %get3A_1, %dot_general3A_55 {dimension_numbers = #tpu.dot_dimension_numbers<[1], [0], [0], [1], [0, 0, 1, 1], [], []>, transpose_lhs_hint = false} : vector<1x256xf32>, vector<256x256xf32>, vector<1x256xf32> -> vector<1x256xf32>
    %add3A_57 = arith.addf %dot_general3A_56, %get3A_4 : vector<1x256xf32>
    %max3A_58 = arith.constant 0.000000e+00 : f32
    %max3A_59 = vector.broadcast %max3A_58 : f32 to vector<1x256xf32>
    %max3A_60 = arith.maximumf %add3A_57, %max3A_59 : vector<1x256xf32>
    %dot_general3A_61 = arith.constant dense<0.000000e+00> : vector<1x1024xf32>
    %dot_general3A_62 = tpu.matmul %max3A_60, %get3A_7, %dot_general3A_61 {dimension_numbers = #tpu.dot_dimension_numbers<[1], [0], [0], [1], [0, 0, 1, 1], [], []>, transpose_lhs_hint = false} : vector<1x256xf32>, vector<256x1024xf32>, vector<1x1024xf32> -> vector<1x1024xf32>
    %dot_general3A_63 = arith.constant dense<0.000000e+00> : vector<1x1024xf32>
    %dot_general3A_64 = tpu.matmul %mul3A_51, %get3A_10, %dot_general3A_63 {dimension_numbers = #tpu.dot_dimension_numbers<[1], [0], [0], [1], [0, 0, 1, 1], [], []>, transpose_lhs_hint = false} : vector<1x256xf32>, vector<256x1024xf32>, vector<1x1024xf32> -> vector<1x1024xf32>
    %add3A_65 = arith.addf %dot_general3A_62, %dot_general3A_64 : vector<1x1024xf32>
    %add3A_66 = arith.addf %add3A_65, %get3A_13 : vector<1x1024xf32>
    %slice3A_67 = vector.extract_strided_slice %add3A_66 {offsets = [0, 0], sizes = [1, 256], strides = [1, 1]} : vector<1x1024xf32> to vector<1x256xf32>
    %logistic3A_68 = arith.negf %slice3A_67 : vector<1x256xf32>
    %logistic3A_69 = math.exp %logistic3A_68 : vector<1x256xf32>
    %logistic3A_70 = arith.constant 1.000000e+00 : f32
    %logistic3A_71 = vector.broadcast %logistic3A_70 : f32 to vector<1x256xf32>
    %logistic3A_72 = arith.addf %logistic3A_71, %logistic3A_69 : vector<1x256xf32>
    %logistic3A_73 = arith.divf %logistic3A_71, %logistic3A_72 : vector<1x256xf32>
    %slice3A_74 = vector.extract_strided_slice %add3A_66 {offsets = [0, 256], sizes = [1, 256], strides = [1, 1]} : vector<1x1024xf32> to vector<1x256xf32>
    %logistic3A_75 = arith.negf %slice3A_74 : vector<1x256xf32>
    %logistic3A_76 = math.exp %logistic3A_75 : vector<1x256xf32>
    %logistic3A_77 = arith.constant 1.000000e+00 : f32
    %logistic3A_78 = vector.broadcast %logistic3A_77 : f32 to vector<1x256xf32>
    %logistic3A_79 = arith.addf %logistic3A_78, %logistic3A_76 : vector<1x256xf32>
    %logistic3A_80 = arith.divf %logistic3A_78, %logistic3A_79 : vector<1x256xf32>
    %slice3A_81 = vector.extract_strided_slice %add3A_66 {offsets = [0, 512], sizes = [1, 256], strides = [1, 1]} : vector<1x1024xf32> to vector<1x256xf32>
    %tanh3A_82 = math.tanh %slice3A_81 : vector<1x256xf32>
    %slice3A_83 = vector.extract_strided_slice %add3A_66 {offsets = [0, 768], sizes = [1, 256], strides = [1, 1]} : vector<1x1024xf32> to vector<1x256xf32>
    %logistic3A_84 = arith.negf %slice3A_83 : vector<1x256xf32>
    %logistic3A_85 = math.exp %logistic3A_84 : vector<1x256xf32>
    %logistic3A_86 = arith.constant 1.000000e+00 : f32
    %logistic3A_87 = vector.broadcast %logistic3A_86 : f32 to vector<1x256xf32>
    %logistic3A_88 = arith.addf %logistic3A_87, %logistic3A_85 : vector<1x256xf32>
    %logistic3A_89 = arith.divf %logistic3A_87, %logistic3A_88 : vector<1x256xf32>
    %mul3A_90 = arith.mulf %logistic3A_80, %add3A_49 : vector<1x256xf32>
    %mul3A_91 = arith.mulf %logistic3A_73, %tanh3A_82 : vector<1x256xf32>
    %add3A_92 = arith.addf %mul3A_90, %mul3A_91 : vector<1x256xf32>
    %tanh3A_93 = math.tanh %add3A_92 : vector<1x256xf32>
    %mul3A_94 = arith.mulf %logistic3A_89, %tanh3A_93 : vector<1x256xf32>
    %get3A_95 = arith.constant 512 : index
    %get3A_96 = vector.load %arg0[%get3A_95] : memref<2048xf32, #tpu.memory_space<vmem>>, vector<256xf32>
    %reshape3A_97 = vector.shape_cast %get3A_96 : vector<256xf32> to vector<1x256xf32>
    %dot_general3A_98 = arith.constant dense<0.000000e+00> : vector<1x256xf32>
    %dot_general3A_99 = tpu.matmul %reshape3A_97, %get3A_1, %dot_general3A_98 {dimension_numbers = #tpu.dot_dimension_numbers<[1], [0], [0], [1], [0, 0, 1, 1], [], []>, transpose_lhs_hint = false} : vector<1x256xf32>, vector<256x256xf32>, vector<1x256xf32> -> vector<1x256xf32>
    %add3A_100 = arith.addf %dot_general3A_99, %get3A_4 : vector<1x256xf32>
    %max3A_101 = arith.constant 0.000000e+00 : f32
    %max3A_102 = vector.broadcast %max3A_101 : f32 to vector<1x256xf32>
    %max3A_103 = arith.maximumf %add3A_100, %max3A_102 : vector<1x256xf32>
    %dot_general3A_104 = arith.constant dense<0.000000e+00> : vector<1x1024xf32>
    %dot_general3A_105 = tpu.matmul %max3A_103, %get3A_7, %dot_general3A_104 {dimension_numbers = #tpu.dot_dimension_numbers<[1], [0], [0], [1], [0, 0, 1, 1], [], []>, transpose_lhs_hint = false} : vector<1x256xf32>, vector<256x1024xf32>, vector<1x1024xf32> -> vector<1x1024xf32>
    %dot_general3A_106 = arith.constant dense<0.000000e+00> : vector<1x1024xf32>
    %dot_general3A_107 = tpu.matmul %mul3A_94, %get3A_10, %dot_general3A_106 {dimension_numbers = #tpu.dot_dimension_numbers<[1], [0], [0], [1], [0, 0, 1, 1], [], []>, transpose_lhs_hint = false} : vector<1x256xf32>, vector<256x1024xf32>, vector<1x1024xf32> -> vector<1x1024xf32>
    %add3A_108 = arith.addf %dot_general3A_105, %dot_general3A_107 : vector<1x1024xf32>
    %add3A_109 = arith.addf %add3A_108, %get3A_13 : vector<1x1024xf32>
    %slice3A_110 = vector.extract_strided_slice %add3A_109 {offsets = [0, 0], sizes = [1, 256], strides = [1, 1]} : vector<1x1024xf32> to vector<1x256xf32>
    %logistic3A_111 = arith.negf %slice3A_110 : vector<1x256xf32>
    %logistic3A_112 = math.exp %logistic3A_111 : vector<1x256xf32>
    %logistic3A_113 = arith.constant 1.000000e+00 : f32
    %logistic3A_114 = vector.broadcast %logistic3A_113 : f32 to vector<1x256xf32>
    %logistic3A_115 = arith.addf %logistic3A_114, %logistic3A_112 : vector<1x256xf32>
    %logistic3A_116 = arith.divf %logistic3A_114, %logistic3A_115 : vector<1x256xf32>
    %slice3A_117 = vector.extract_strided_slice %add3A_109 {offsets = [0, 256], sizes = [1, 256], strides = [1, 1]} : vector<1x1024xf32> to vector<1x256xf32>
    %logistic3A_118 = arith.negf %slice3A_117 : vector<1x256xf32>
    %logistic3A_119 = math.exp %logistic3A_118 : vector<1x256xf32>
    %logistic3A_120 = arith.constant 1.000000e+00 : f32
    %logistic3A_121 = vector.broadcast %logistic3A_120 : f32 to vector<1x256xf32>
    %logistic3A_122 = arith.addf %logistic3A_121, %logistic3A_119 : vector<1x256xf32>
    %logistic3A_123 = arith.divf %logistic3A_121, %logistic3A_122 : vector<1x256xf32>
    %slice3A_124 = vector.extract_strided_slice %add3A_109 {offsets = [0, 512], sizes = [1, 256], strides = [1, 1]} : vector<1x1024xf32> to vector<1x256xf32>
    %tanh3A_125 = math.tanh %slice3A_124 : vector<1x256xf32>
    %slice3A_126 = vector.extract_strided_slice %add3A_109 {offsets = [0, 768], sizes = [1, 256], strides = [1, 1]} : vector<1x1024xf32> to vector<1x256xf32>
    %logistic3A_127 = arith.negf %slice3A_126 : vector<1x256xf32>
    %logistic3A_128 = math.exp %logistic3A_127 : vector<1x256xf32>
    %logistic3A_129 = arith.constant 1.000000e+00 : f32
    %logistic3A_130 = vector.broadcast %logistic3A_129 : f32 to vector<1x256xf32>
    %logistic3A_131 = arith.addf %logistic3A_130, %logistic3A_128 : vector<1x256xf32>
    %logistic3A_132 = arith.divf %logistic3A_130, %logistic3A_131 : vector<1x256xf32>
    %mul3A_133 = arith.mulf %logistic3A_123, %add3A_92 : vector<1x256xf32>
    %mul3A_134 = arith.mulf %logistic3A_116, %tanh3A_125 : vector<1x256xf32>
    %add3A_135 = arith.addf %mul3A_133, %mul3A_134 : vector<1x256xf32>
    %tanh3A_136 = math.tanh %add3A_135 : vector<1x256xf32>
    %mul3A_137 = arith.mulf %logistic3A_132, %tanh3A_136 : vector<1x256xf32>
    %get3A_138 = arith.constant 768 : index
    %get3A_139 = vector.load %arg0[%get3A_138] : memref<2048xf32, #tpu.memory_space<vmem>>, vector<256xf32>
    %reshape3A_140 = vector.shape_cast %get3A_139 : vector<256xf32> to vector<1x256xf32>
    %dot_general3A_141 = arith.constant dense<0.000000e+00> : vector<1x256xf32>
    %dot_general3A_142 = tpu.matmul %reshape3A_140, %get3A_1, %dot_general3A_141 {dimension_numbers = #tpu.dot_dimension_numbers<[1], [0], [0], [1], [0, 0, 1, 1], [], []>, transpose_lhs_hint = false} : vector<1x256xf32>, vector<256x256xf32>, vector<1x256xf32> -> vector<1x256xf32>
    %add3A_143 = arith.addf %dot_general3A_142, %get3A_4 : vector<1x256xf32>
    %max3A_144 = arith.constant 0.000000e+00 : f32
    %max3A_145 = vector.broadcast %max3A_144 : f32 to vector<1x256xf32>
    %max3A_146 = arith.maximumf %add3A_143, %max3A_145 : vector<1x256xf32>
    %dot_general3A_147 = arith.constant dense<0.000000e+00> : vector<1x1024xf32>
    %dot_general3A_148 = tpu.matmul %max3A_146, %get3A_7, %dot_general3A_147 {dimension_numbers = #tpu.dot_dimension_numbers<[1], [0], [0], [1], [0, 0, 1, 1], [], []>, transpose_lhs_hint = false} : vector<1x256xf32>, vector<256x1024xf32>, vector<1x1024xf32> -> vector<1x1024xf32>
    %dot_general3A_149 = arith.constant dense<0.000000e+00> : vector<1x1024xf32>
    %dot_general3A_150 = tpu.matmul %mul3A_137, %get3A_10, %dot_general3A_149 {dimension_numbers = #tpu.dot_dimension_numbers<[1], [0], [0], [1], [0, 0, 1, 1], [], []>, transpose_lhs_hint = false} : vector<1x256xf32>, vector<256x1024xf32>, vector<1x1024xf32> -> vector<1x1024xf32>
    %add3A_151 = arith.addf %dot_general3A_148, %dot_general3A_150 : vector<1x1024xf32>
    %add3A_152 = arith.addf %add3A_151, %get3A_13 : vector<1x1024xf32>
    %slice3A_153 = vector.extract_strided_slice %add3A_152 {offsets = [0, 0], sizes = [1, 256], strides = [1, 1]} : vector<1x1024xf32> to vector<1x256xf32>
    %logistic3A_154 = arith.negf %slice3A_153 : vector<1x256xf32>
    %logistic3A_155 = math.exp %logistic3A_154 : vector<1x256xf32>
    %logistic3A_156 = arith.constant 1.000000e+00 : f32
    %logistic3A_157 = vector.broadcast %logistic3A_156 : f32 to vector<1x256xf32>
    %logistic3A_158 = arith.addf %logistic3A_157, %logistic3A_155 : vector<1x256xf32>
    %logistic3A_159 = arith.divf %logistic3A_157, %logistic3A_158 : vector<1x256xf32>
    %slice3A_160 = vector.extract_strided_slice %add3A_152 {offsets = [0, 256], sizes = [1, 256], strides = [1, 1]} : vector<1x1024xf32> to vector<1x256xf32>
    %logistic3A_161 = arith.negf %slice3A_160 : vector<1x256xf32>
    %logistic3A_162 = math.exp %logistic3A_161 : vector<1x256xf32>
    %logistic3A_163 = arith.constant 1.000000e+00 : f32
    %logistic3A_164 = vector.broadcast %logistic3A_163 : f32 to vector<1x256xf32>
    %logistic3A_165 = arith.addf %logistic3A_164, %logistic3A_162 : vector<1x256xf32>
    %logistic3A_166 = arith.divf %logistic3A_164, %logistic3A_165 : vector<1x256xf32>
    %slice3A_167 = vector.extract_strided_slice %add3A_152 {offsets = [0, 512], sizes = [1, 256], strides = [1, 1]} : vector<1x1024xf32> to vector<1x256xf32>
    %tanh3A_168 = math.tanh %slice3A_167 : vector<1x256xf32>
    %slice3A_169 = vector.extract_strided_slice %add3A_152 {offsets = [0, 768], sizes = [1, 256], strides = [1, 1]} : vector<1x1024xf32> to vector<1x256xf32>
    %logistic3A_170 = arith.negf %slice3A_169 : vector<1x256xf32>
    %logistic3A_171 = math.exp %logistic3A_170 : vector<1x256xf32>
    %logistic3A_172 = arith.constant 1.000000e+00 : f32
    %logistic3A_173 = vector.broadcast %logistic3A_172 : f32 to vector<1x256xf32>
    %logistic3A_174 = arith.addf %logistic3A_173, %logistic3A_171 : vector<1x256xf32>
    %logistic3A_175 = arith.divf %logistic3A_173, %logistic3A_174 : vector<1x256xf32>
    %mul3A_176 = arith.mulf %logistic3A_166, %add3A_135 : vector<1x256xf32>
    %mul3A_177 = arith.mulf %logistic3A_159, %tanh3A_168 : vector<1x256xf32>
    %add3A_178 = arith.addf %mul3A_176, %mul3A_177 : vector<1x256xf32>
    %tanh3A_179 = math.tanh %add3A_178 : vector<1x256xf32>
    %mul3A_180 = arith.mulf %logistic3A_175, %tanh3A_179 : vector<1x256xf32>
    %get3A_181 = arith.constant 1024 : index
    %get3A_182 = vector.load %arg0[%get3A_181] : memref<2048xf32, #tpu.memory_space<vmem>>, vector<256xf32>
    %reshape3A_183 = vector.shape_cast %get3A_182 : vector<256xf32> to vector<1x256xf32>
    %dot_general3A_184 = arith.constant dense<0.000000e+00> : vector<1x256xf32>
    %dot_general3A_185 = tpu.matmul %reshape3A_183, %get3A_1, %dot_general3A_184 {dimension_numbers = #tpu.dot_dimension_numbers<[1], [0], [0], [1], [0, 0, 1, 1], [], []>, transpose_lhs_hint = false} : vector<1x256xf32>, vector<256x256xf32>, vector<1x256xf32> -> vector<1x256xf32>
    %add3A_186 = arith.addf %dot_general3A_185, %get3A_4 : vector<1x256xf32>
    %max3A_187 = arith.constant 0.000000e+00 : f32
    %max3A_188 = vector.broadcast %max3A_187 : f32 to vector<1x256xf32>
    %max3A_189 = arith.maximumf %add3A_186, %max3A_188 : vector<1x256xf32>
    %dot_general3A_190 = arith.constant dense<0.000000e+00> : vector<1x1024xf32>
    %dot_general3A_191 = tpu.matmul %max3A_189, %get3A_7, %dot_general3A_190 {dimension_numbers = #tpu.dot_dimension_numbers<[1], [0], [0], [1], [0, 0, 1, 1], [], []>, transpose_lhs_hint = false} : vector<1x256xf32>, vector<256x1024xf32>, vector<1x1024xf32> -> vector<1x1024xf32>
    %dot_general3A_192 = arith.constant dense<0.000000e+00> : vector<1x1024xf32>
    %dot_general3A_193 = tpu.matmul %mul3A_180, %get3A_10, %dot_general3A_192 {dimension_numbers = #tpu.dot_dimension_numbers<[1], [0], [0], [1], [0, 0, 1, 1], [], []>, transpose_lhs_hint = false} : vector<1x256xf32>, vector<256x1024xf32>, vector<1x1024xf32> -> vector<1x1024xf32>
    %add3A_194 = arith.addf %dot_general3A_191, %dot_general3A_193 : vector<1x1024xf32>
    %add3A_195 = arith.addf %add3A_194, %get3A_13 : vector<1x1024xf32>
    %slice3A_196 = vector.extract_strided_slice %add3A_195 {offsets = [0, 0], sizes = [1, 256], strides = [1, 1]} : vector<1x1024xf32> to vector<1x256xf32>
    %logistic3A_197 = arith.negf %slice3A_196 : vector<1x256xf32>
    %logistic3A_198 = math.exp %logistic3A_197 : vector<1x256xf32>
    %logistic3A_199 = arith.constant 1.000000e+00 : f32
    %logistic3A_200 = vector.broadcast %logistic3A_199 : f32 to vector<1x256xf32>
    %logistic3A_201 = arith.addf %logistic3A_200, %logistic3A_198 : vector<1x256xf32>
    %logistic3A_202 = arith.divf %logistic3A_200, %logistic3A_201 : vector<1x256xf32>
    %slice3A_203 = vector.extract_strided_slice %add3A_195 {offsets = [0, 256], sizes = [1, 256], strides = [1, 1]} : vector<1x1024xf32> to vector<1x256xf32>
    %logistic3A_204 = arith.negf %slice3A_203 : vector<1x256xf32>
    %logistic3A_205 = math.exp %logistic3A_204 : vector<1x256xf32>
    %logistic3A_206 = arith.constant 1.000000e+00 : f32
    %logistic3A_207 = vector.broadcast %logistic3A_206 : f32 to vector<1x256xf32>
    %logistic3A_208 = arith.addf %logistic3A_207, %logistic3A_205 : vector<1x256xf32>
    %logistic3A_209 = arith.divf %logistic3A_207, %logistic3A_208 : vector<1x256xf32>
    %slice3A_210 = vector.extract_strided_slice %add3A_195 {offsets = [0, 512], sizes = [1, 256], strides = [1, 1]} : vector<1x1024xf32> to vector<1x256xf32>
    %tanh3A_211 = math.tanh %slice3A_210 : vector<1x256xf32>
    %slice3A_212 = vector.extract_strided_slice %add3A_195 {offsets = [0, 768], sizes = [1, 256], strides = [1, 1]} : vector<1x1024xf32> to vector<1x256xf32>
    %logistic3A_213 = arith.negf %slice3A_212 : vector<1x256xf32>
    %logistic3A_214 = math.exp %logistic3A_213 : vector<1x256xf32>
    %logistic3A_215 = arith.constant 1.000000e+00 : f32
    %logistic3A_216 = vector.broadcast %logistic3A_215 : f32 to vector<1x256xf32>
    %logistic3A_217 = arith.addf %logistic3A_216, %logistic3A_214 : vector<1x256xf32>
    %logistic3A_218 = arith.divf %logistic3A_216, %logistic3A_217 : vector<1x256xf32>
    %mul3A_219 = arith.mulf %logistic3A_209, %add3A_178 : vector<1x256xf32>
    %mul3A_220 = arith.mulf %logistic3A_202, %tanh3A_211 : vector<1x256xf32>
    %add3A_221 = arith.addf %mul3A_219, %mul3A_220 : vector<1x256xf32>
    %tanh3A_222 = math.tanh %add3A_221 : vector<1x256xf32>
    %mul3A_223 = arith.mulf %logistic3A_218, %tanh3A_222 : vector<1x256xf32>
    %get3A_224 = arith.constant 0 : index
    %get3A_225 = arith.constant 0 : index
    %get3A_226 = vector.load %arg6[%get3A_224, %get3A_225] : memref<400x256xf32, #tpu.memory_space<vmem>>, vector<400x256xf32>
    %dot_general3A_227 = arith.constant dense<0.000000e+00> : vector<1x400xf32>
    %dot_general3A_228 = tpu.matmul %mul3A_223, %get3A_226, %dot_general3A_227 {dimension_numbers = #tpu.dot_dimension_numbers<[1], [1], [0], [0], [0, 0, 1, 0], [], []>, transpose_lhs_hint = false} : vector<1x256xf32>, vector<400x256xf32>, vector<1x400xf32> -> vector<1x400xf32>
    %get3A_229 = arith.constant 0 : index
    %get3A_230 = arith.constant 0 : index
    %get3A_231 = vector.load %arg7[%get3A_229, %get3A_230] : memref<1x400xf32, #tpu.memory_space<vmem>>, vector<1x400xf32>
    %add3A_232 = arith.addf %dot_general3A_228, %get3A_231 : vector<1x400xf32>
    %max3A_233 = arith.constant 0.000000e+00 : f32
    %max3A_234 = vector.broadcast %max3A_233 : f32 to vector<1x400xf32>
    %max3A_235 = arith.maximumf %add3A_232, %max3A_234 : vector<1x400xf32>
    %get3A_236 = arith.constant 0 : index
    %get3A_237 = arith.constant 0 : index
    %get3A_238 = vector.load %arg8[%get3A_236, %get3A_237] : memref<400x400xf32, #tpu.memory_space<vmem>>, vector<400x400xf32>
    %dot_general3A_239 = arith.constant dense<0.000000e+00> : vector<1x400xf32>
    %dot_general3A_240 = tpu.matmul %max3A_235, %get3A_238, %dot_general3A_239 {dimension_numbers = #tpu.dot_dimension_numbers<[1], [0], [0], [1], [0, 0, 1, 1], [], []>, transpose_lhs_hint = false} : vector<1x400xf32>, vector<400x400xf32>, vector<1x400xf32> -> vector<1x400xf32>
    %get3A_241 = arith.constant 0 : index
    %get3A_242 = arith.constant 0 : index
    %get3A_243 = vector.load %arg9[%get3A_241, %get3A_242] : memref<1x400xf32, #tpu.memory_space<vmem>>, vector<1x400xf32>
    %add3A_244 = arith.addf %dot_general3A_240, %get3A_243 : vector<1x400xf32>
    %max3A_245 = arith.constant 0.000000e+00 : f32
    %max3A_246 = vector.broadcast %max3A_245 : f32 to vector<1x400xf32>
    %max3A_247 = arith.maximumf %add3A_244, %max3A_246 : vector<1x400xf32>
    %get3A_248 = arith.constant 0 : index
    %get3A_249 = arith.constant 0 : index
    %get3A_250 = vector.load %arg10[%get3A_248, %get3A_249] : memref<2x400xf32, #tpu.memory_space<vmem>>, vector<2x400xf32>
    %dot_general3A_251 = arith.constant dense<0.000000e+00> : vector<1x2xf32>
    %dot_general3A_252 = tpu.matmul %max3A_247, %get3A_250, %dot_general3A_251 {dimension_numbers = #tpu.dot_dimension_numbers<[1], [1], [0], [0], [0, 0, 1, 0], [], []>, transpose_lhs_hint = false} : vector<1x400xf32>, vector<2x400xf32>, vector<1x2xf32> -> vector<1x2xf32>
    %get3A_253 = arith.constant 0 : index
    %get3A_254 = arith.constant 0 : index
    %get3A_255 = vector.load %arg11[%get3A_253, %get3A_254] : memref<1x2xf32, #tpu.memory_space<vmem>>, vector<1x2xf32>
    %add3A_256 = arith.addf %dot_general3A_252, %get3A_255 : vector<1x2xf32>
    %reduce_max3A = vector.shape_cast %add3A_256 : vector<1x2xf32> to vector<1x1x2xf32>
    %reduce_max3A_257 = arith.constant dense<0xFF800000> : vector<1xf32>
    %reduce_max3A_258 = vector.multi_reduction <maximumf>, %reduce_max3A, %reduce_max3A_257 [1, 2] : vector<1x1x2xf32> to vector<1xf32>
    %reduce_max3A_259 = vector.shape_cast %reduce_max3A_258 : vector<1xf32> to vector<1x1x1xf32>
    %reduce_max3A_260 = vector.extract %reduce_max3A_259[0, 0, 0] : f32 from vector<1x1x1xf32>
    %sub3A = vector.broadcast %reduce_max3A_260 : f32 to vector<1x2xf32>
    %sub3A_261 = arith.subf %add3A_256, %sub3A : vector<1x2xf32>
    %exp3A = math.exp %sub3A_261 : vector<1x2xf32>
    %reduce_sum3A = vector.shape_cast %exp3A : vector<1x2xf32> to vector<1x1x2xf32>
    %reduce_sum3A_262 = arith.constant dense<0.000000e+00> : vector<1xf32>
    %reduce_sum3A_263 = vector.multi_reduction <add>, %reduce_sum3A, %reduce_sum3A_262 [1, 2] : vector<1x1x2xf32> to vector<1xf32>
    %reduce_sum3A_264 = vector.shape_cast %reduce_sum3A_263 : vector<1xf32> to vector<1x1x1xf32>
    %reduce_sum3A_265 = vector.extract %reduce_sum3A_264[0, 0, 0] : f32 from vector<1x1x1xf32>
    %div3A = vector.broadcast %reduce_sum3A_265 : f32 to vector<1x2xf32>
    %div3A_266 = arith.divf %exp3A, %div3A : vector<1x2xf32>
    %swap3A = arith.constant 0 : index
    %swap3A_267 = arith.constant 0 : index
    %swap3A_268 = vector.load %arg12[%swap3A, %swap3A_267] : memref<1x2xf32, #tpu.memory_space<vmem>>, vector<1x2xf32>
    tpu.vector_store %arg12[%swap3A, %swap3A_267], %div3A_266 {strides = array<i32>} : memref<1x2xf32, #tpu.memory_space<vmem>>, vector<1x2xf32>,
    return
  }
}

module attributes {stable_mosaic.version = 14 : i64} {
  func.func @_ids_body(%arg0: memref<9xi32, #tpu.memory_space<smem>>, %arg1: memref<32x100000xi32, #tpu.memory_space<any>>, %arg2: memref<32x128xi32, #tpu.memory_space<vmem>>, %arg3: memref<8x128xi32, #tpu.memory_space<vmem>>, %arg4: memref<5x32x128xi32, #tpu.memory_space<vmem>>, %arg5: memref<!tpu.dma_semaphore, #tpu.memory_space<semaphore_mem>>) attributes {dimension_semantics = [], scalar_prefetch = 0 : i64, scratch_operands = 2 : i64, tpu.core_type = #tpu.core_type<tc>} {
    %get3A = arith.constant 0 : index
    %get3A_0 = memref.load %arg0[%get3A] : memref<9xi32, #tpu.memory_space<smem>>
    %jit3A = arith.constant 128 : i32
    %div3A = arith.divsi %get3A_0, %jit3A : i32
    %sign3A = arith.constant 0 : i32
    %sign3A_1 = arith.cmpi sgt, %get3A_0, %sign3A : i32
    %sign3A_2 = arith.extui %sign3A_1 : i1 to i32
    %sign3A_3 = arith.constant 0 : i32
    %sign3A_4 = arith.cmpi slt, %get3A_0, %sign3A_3 : i32
    %sign3A_5 = arith.extui %sign3A_4 : i1 to i32
    %sign3A_6 = arith.subi %sign3A_2, %sign3A_5 : i32
    %sign3A_7 = arith.constant 0 : i32
    %sign3A_8 = arith.cmpi sgt, %jit3A, %sign3A_7 : i32
    %sign3A_9 = arith.extui %sign3A_8 : i1 to i32
    %sign3A_10 = arith.constant 0 : i32
    %sign3A_11 = arith.cmpi slt, %jit3A, %sign3A_10 : i32
    %sign3A_12 = arith.extui %sign3A_11 : i1 to i32
    %sign3A_13 = arith.subi %sign3A_9, %sign3A_12 : i32
    %ne3A = arith.cmpi ne, %sign3A_6, %sign3A_13 : i32
    %rem3A = arith.remsi %get3A_0, %jit3A : i32
    %ne3A_14 = arith.constant 0 : i32
    %ne3A_15 = arith.cmpi ne, %rem3A, %ne3A_14 : i32
    %and3A = arith.andi %ne3A, %ne3A_15 : i1
    %sub3A = arith.constant 1 : i32
    %sub3A_16 = arith.subi %div3A, %sub3A : i32
    %select_n3A = arith.select %and3A, %sub3A_16, %div3A : i32
    %mul3A = arith.constant 128 : i32
    %mul3A_17 = arith.muli %select_n3A, %mul3A : i32
    %min3A = arith.constant 99840 : i32
    %min3A_18 = arith.minsi %mul3A_17, %min3A : i32
    %multiple_of3A = tpu.assume_multiple %min3A_18, 128 : i32
    %dma_start3A = arith.constant 0 : i32
    %dma_start3A_19 = arith.constant 0 : i32
    %dma_start3A_20 = arith.constant 0 : i32
    %dma_start3A_21 = tpu.memref_slice %arg4[%dma_start3A, %dma_start3A_19, %dma_start3A_20] : memref<5x32x128xi32, #tpu.memory_space<vmem>> -> memref<1x32x128xi32, #tpu.memory_space<vmem>>
    %dma_start3A_22 = tpu.memref_squeeze %dma_start3A_21 : memref<1x32x128xi32, #tpu.memory_space<vmem>> -> memref<32x128xi32, #tpu.memory_space<vmem>>
    %dma_start3A_23 = arith.constant 0 : i32
    %dma_start3A_24 = tpu.memref_slice %arg1[%dma_start3A_23, %multiple_of3A] : memref<32x100000xi32, #tpu.memory_space<any>> -> memref<32x128xi32, #tpu.memory_space<any>>
    tpu.enqueue_dma source(%dma_start3A_24 : memref<32x128xi32, #tpu.memory_space<any>>) target(%dma_start3A_22 : memref<32x128xi32, #tpu.memory_space<vmem>>) target_semaphore(%arg5 : memref<!tpu.dma_semaphore, #tpu.memory_space<semaphore_mem>>)
    %get3A_25 = arith.constant 2 : index
    %get3A_26 = memref.load %arg0[%get3A_25] : memref<9xi32, #tpu.memory_space<smem>>
    %jit3A_27 = arith.constant 128 : i32
    %div3A_28 = arith.divsi %get3A_26, %jit3A_27 : i32
    %sign3A_29 = arith.constant 0 : i32
    %sign3A_30 = arith.cmpi sgt, %get3A_26, %sign3A_29 : i32
    %sign3A_31 = arith.extui %sign3A_30 : i1 to i32
    %sign3A_32 = arith.constant 0 : i32
    %sign3A_33 = arith.cmpi slt, %get3A_26, %sign3A_32 : i32
    %sign3A_34 = arith.extui %sign3A_33 : i1 to i32
    %sign3A_35 = arith.subi %sign3A_31, %sign3A_34 : i32
    %sign3A_36 = arith.constant 0 : i32
    %sign3A_37 = arith.cmpi sgt, %jit3A_27, %sign3A_36 : i32
    %sign3A_38 = arith.extui %sign3A_37 : i1 to i32
    %sign3A_39 = arith.constant 0 : i32
    %sign3A_40 = arith.cmpi slt, %jit3A_27, %sign3A_39 : i32
    %sign3A_41 = arith.extui %sign3A_40 : i1 to i32
    %sign3A_42 = arith.subi %sign3A_38, %sign3A_41 : i32
    %ne3A_43 = arith.cmpi ne, %sign3A_35, %sign3A_42 : i32
    %rem3A_44 = arith.remsi %get3A_26, %jit3A_27 : i32
    %ne3A_45 = arith.constant 0 : i32
    %ne3A_46 = arith.cmpi ne, %rem3A_44, %ne3A_45 : i32
    %and3A_47 = arith.andi %ne3A_43, %ne3A_46 : i1
    %sub3A_48 = arith.constant 1 : i32
    %sub3A_49 = arith.subi %div3A_28, %sub3A_48 : i32
    %select_n3A_50 = arith.select %and3A_47, %sub3A_49, %div3A_28 : i32
    %mul3A_51 = arith.constant 128 : i32
    %mul3A_52 = arith.muli %select_n3A_50, %mul3A_51 : i32
    %min3A_53 = arith.constant 99840 : i32
    %min3A_54 = arith.minsi %mul3A_52, %min3A_53 : i32
    %multiple_of3A_55 = tpu.assume_multiple %min3A_54, 128 : i32
    %dma_start3A_56 = arith.constant 1 : i32
    %dma_start3A_57 = arith.constant 0 : i32
    %dma_start3A_58 = arith.constant 0 : i32
    %dma_start3A_59 = tpu.memref_slice %arg4[%dma_start3A_56, %dma_start3A_57, %dma_start3A_58] : memref<5x32x128xi32, #tpu.memory_space<vmem>> -> memref<1x32x128xi32, #tpu.memory_space<vmem>>
    %dma_start3A_60 = tpu.memref_squeeze %dma_start3A_59 : memref<1x32x128xi32, #tpu.memory_space<vmem>> -> memref<32x128xi32, #tpu.memory_space<vmem>>
    %dma_start3A_61 = arith.constant 0 : i32
    %dma_start3A_62 = tpu.memref_slice %arg1[%dma_start3A_61, %multiple_of3A_55] : memref<32x100000xi32, #tpu.memory_space<any>> -> memref<32x128xi32, #tpu.memory_space<any>>
    tpu.enqueue_dma source(%dma_start3A_62 : memref<32x128xi32, #tpu.memory_space<any>>) target(%dma_start3A_60 : memref<32x128xi32, #tpu.memory_space<vmem>>) target_semaphore(%arg5 : memref<!tpu.dma_semaphore, #tpu.memory_space<semaphore_mem>>)
    %get3A_63 = arith.constant 4 : index
    %get3A_64 = memref.load %arg0[%get3A_63] : memref<9xi32, #tpu.memory_space<smem>>
    %jit3A_65 = arith.constant 128 : i32
    %div3A_66 = arith.divsi %get3A_64, %jit3A_65 : i32
    %sign3A_67 = arith.constant 0 : i32
    %sign3A_68 = arith.cmpi sgt, %get3A_64, %sign3A_67 : i32
    %sign3A_69 = arith.extui %sign3A_68 : i1 to i32
    %sign3A_70 = arith.constant 0 : i32
    %sign3A_71 = arith.cmpi slt, %get3A_64, %sign3A_70 : i32
    %sign3A_72 = arith.extui %sign3A_71 : i1 to i32
    %sign3A_73 = arith.subi %sign3A_69, %sign3A_72 : i32
    %sign3A_74 = arith.constant 0 : i32
    %sign3A_75 = arith.cmpi sgt, %jit3A_65, %sign3A_74 : i32
    %sign3A_76 = arith.extui %sign3A_75 : i1 to i32
    %sign3A_77 = arith.constant 0 : i32
    %sign3A_78 = arith.cmpi slt, %jit3A_65, %sign3A_77 : i32
    %sign3A_79 = arith.extui %sign3A_78 : i1 to i32
    %sign3A_80 = arith.subi %sign3A_76, %sign3A_79 : i32
    %ne3A_81 = arith.cmpi ne, %sign3A_73, %sign3A_80 : i32
    %rem3A_82 = arith.remsi %get3A_64, %jit3A_65 : i32
    %ne3A_83 = arith.constant 0 : i32
    %ne3A_84 = arith.cmpi ne, %rem3A_82, %ne3A_83 : i32
    %and3A_85 = arith.andi %ne3A_81, %ne3A_84 : i1
    %sub3A_86 = arith.constant 1 : i32
    %sub3A_87 = arith.subi %div3A_66, %sub3A_86 : i32
    %select_n3A_88 = arith.select %and3A_85, %sub3A_87, %div3A_66 : i32
    %mul3A_89 = arith.constant 128 : i32
    %mul3A_90 = arith.muli %select_n3A_88, %mul3A_89 : i32
    %min3A_91 = arith.constant 99840 : i32
    %min3A_92 = arith.minsi %mul3A_90, %min3A_91 : i32
    %multiple_of3A_93 = tpu.assume_multiple %min3A_92, 128 : i32
    %dma_start3A_94 = arith.constant 2 : i32
    %dma_start3A_95 = arith.constant 0 : i32
    %dma_start3A_96 = arith.constant 0 : i32
    %dma_start3A_97 = tpu.memref_slice %arg4[%dma_start3A_94, %dma_start3A_95, %dma_start3A_96] : memref<5x32x128xi32, #tpu.memory_space<vmem>> -> memref<1x32x128xi32, #tpu.memory_space<vmem>>
    %dma_start3A_98 = tpu.memref_squeeze %dma_start3A_97 : memref<1x32x128xi32, #tpu.memory_space<vmem>> -> memref<32x128xi32, #tpu.memory_space<vmem>>
    %dma_start3A_99 = arith.constant 0 : i32
    %dma_start3A_100 = tpu.memref_slice %arg1[%dma_start3A_99, %multiple_of3A_93] : memref<32x100000xi32, #tpu.memory_space<any>> -> memref<32x128xi32, #tpu.memory_space<any>>
    tpu.enqueue_dma source(%dma_start3A_100 : memref<32x128xi32, #tpu.memory_space<any>>) target(%dma_start3A_98 : memref<32x128xi32, #tpu.memory_space<vmem>>) target_semaphore(%arg5 : memref<!tpu.dma_semaphore, #tpu.memory_space<semaphore_mem>>)
    %get3A_101 = arith.constant 6 : index
    %get3A_102 = memref.load %arg0[%get3A_101] : memref<9xi32, #tpu.memory_space<smem>>
    %jit3A_103 = arith.constant 128 : i32
    %div3A_104 = arith.divsi %get3A_102, %jit3A_103 : i32
    %sign3A_105 = arith.constant 0 : i32
    %sign3A_106 = arith.cmpi sgt, %get3A_102, %sign3A_105 : i32
    %sign3A_107 = arith.extui %sign3A_106 : i1 to i32
    %sign3A_108 = arith.constant 0 : i32
    %sign3A_109 = arith.cmpi slt, %get3A_102, %sign3A_108 : i32
    %sign3A_110 = arith.extui %sign3A_109 : i1 to i32
    %sign3A_111 = arith.subi %sign3A_107, %sign3A_110 : i32
    %sign3A_112 = arith.constant 0 : i32
    %sign3A_113 = arith.cmpi sgt, %jit3A_103, %sign3A_112 : i32
    %sign3A_114 = arith.extui %sign3A_113 : i1 to i32
    %sign3A_115 = arith.constant 0 : i32
    %sign3A_116 = arith.cmpi slt, %jit3A_103, %sign3A_115 : i32
    %sign3A_117 = arith.extui %sign3A_116 : i1 to i32
    %sign3A_118 = arith.subi %sign3A_114, %sign3A_117 : i32
    %ne3A_119 = arith.cmpi ne, %sign3A_111, %sign3A_118 : i32
    %rem3A_120 = arith.remsi %get3A_102, %jit3A_103 : i32
    %ne3A_121 = arith.constant 0 : i32
    %ne3A_122 = arith.cmpi ne, %rem3A_120, %ne3A_121 : i32
    %and3A_123 = arith.andi %ne3A_119, %ne3A_122 : i1
    %sub3A_124 = arith.constant 1 : i32
    %sub3A_125 = arith.subi %div3A_104, %sub3A_124 : i32
    %select_n3A_126 = arith.select %and3A_123, %sub3A_125, %div3A_104 : i32
    %mul3A_127 = arith.constant 128 : i32
    %mul3A_128 = arith.muli %select_n3A_126, %mul3A_127 : i32
    %min3A_129 = arith.constant 99840 : i32
    %min3A_130 = arith.minsi %mul3A_128, %min3A_129 : i32
    %multiple_of3A_131 = tpu.assume_multiple %min3A_130, 128 : i32
    %dma_start3A_132 = arith.constant 3 : i32
    %dma_start3A_133 = arith.constant 0 : i32
    %dma_start3A_134 = arith.constant 0 : i32
    %dma_start3A_135 = tpu.memref_slice %arg4[%dma_start3A_132, %dma_start3A_133, %dma_start3A_134] : memref<5x32x128xi32, #tpu.memory_space<vmem>> -> memref<1x32x128xi32, #tpu.memory_space<vmem>>
    %dma_start3A_136 = tpu.memref_squeeze %dma_start3A_135 : memref<1x32x128xi32, #tpu.memory_space<vmem>> -> memref<32x128xi32, #tpu.memory_space<vmem>>
    %dma_start3A_137 = arith.constant 0 : i32
    %dma_start3A_138 = tpu.memref_slice %arg1[%dma_start3A_137, %multiple_of3A_131] : memref<32x100000xi32, #tpu.memory_space<any>> -> memref<32x128xi32, #tpu.memory_space<any>>
    tpu.enqueue_dma source(%dma_start3A_138 : memref<32x128xi32, #tpu.memory_space<any>>) target(%dma_start3A_136 : memref<32x128xi32, #tpu.memory_space<vmem>>) target_semaphore(%arg5 : memref<!tpu.dma_semaphore, #tpu.memory_space<semaphore_mem>>)
    %get3A_139 = arith.constant 8 : index
    %get3A_140 = memref.load %arg0[%get3A_139] : memref<9xi32, #tpu.memory_space<smem>>
    %jit3A_141 = arith.constant 128 : i32
    %div3A_142 = arith.divsi %get3A_140, %jit3A_141 : i32
    %sign3A_143 = arith.constant 0 : i32
    %sign3A_144 = arith.cmpi sgt, %get3A_140, %sign3A_143 : i32
    %sign3A_145 = arith.extui %sign3A_144 : i1 to i32
    %sign3A_146 = arith.constant 0 : i32
    %sign3A_147 = arith.cmpi slt, %get3A_140, %sign3A_146 : i32
    %sign3A_148 = arith.extui %sign3A_147 : i1 to i32
    %sign3A_149 = arith.subi %sign3A_145, %sign3A_148 : i32
    %sign3A_150 = arith.constant 0 : i32
    %sign3A_151 = arith.cmpi sgt, %jit3A_141, %sign3A_150 : i32
    %sign3A_152 = arith.extui %sign3A_151 : i1 to i32
    %sign3A_153 = arith.constant 0 : i32
    %sign3A_154 = arith.cmpi slt, %jit3A_141, %sign3A_153 : i32
    %sign3A_155 = arith.extui %sign3A_154 : i1 to i32
    %sign3A_156 = arith.subi %sign3A_152, %sign3A_155 : i32
    %ne3A_157 = arith.cmpi ne, %sign3A_149, %sign3A_156 : i32
    %rem3A_158 = arith.remsi %get3A_140, %jit3A_141 : i32
    %ne3A_159 = arith.constant 0 : i32
    %ne3A_160 = arith.cmpi ne, %rem3A_158, %ne3A_159 : i32
    %and3A_161 = arith.andi %ne3A_157, %ne3A_160 : i1
    %sub3A_162 = arith.constant 1 : i32
    %sub3A_163 = arith.subi %div3A_142, %sub3A_162 : i32
    %select_n3A_164 = arith.select %and3A_161, %sub3A_163, %div3A_142 : i32
    %mul3A_165 = arith.constant 128 : i32
    %mul3A_166 = arith.muli %select_n3A_164, %mul3A_165 : i32
    %min3A_167 = arith.constant 99840 : i32
    %min3A_168 = arith.minsi %mul3A_166, %min3A_167 : i32
    %multiple_of3A_169 = tpu.assume_multiple %min3A_168, 128 : i32
    %dma_start3A_170 = arith.constant 4 : i32
    %dma_start3A_171 = arith.constant 0 : i32
    %dma_start3A_172 = arith.constant 0 : i32
    %dma_start3A_173 = tpu.memref_slice %arg4[%dma_start3A_170, %dma_start3A_171, %dma_start3A_172] : memref<5x32x128xi32, #tpu.memory_space<vmem>> -> memref<1x32x128xi32, #tpu.memory_space<vmem>>
    %dma_start3A_174 = tpu.memref_squeeze %dma_start3A_173 : memref<1x32x128xi32, #tpu.memory_space<vmem>> -> memref<32x128xi32, #tpu.memory_space<vmem>>
    %dma_start3A_175 = arith.constant 0 : i32
    %dma_start3A_176 = tpu.memref_slice %arg1[%dma_start3A_175, %multiple_of3A_169] : memref<32x100000xi32, #tpu.memory_space<any>> -> memref<32x128xi32, #tpu.memory_space<any>>
    tpu.enqueue_dma source(%dma_start3A_176 : memref<32x128xi32, #tpu.memory_space<any>>) target(%dma_start3A_174 : memref<32x128xi32, #tpu.memory_space<vmem>>) target_semaphore(%arg5 : memref<!tpu.dma_semaphore, #tpu.memory_space<semaphore_mem>>)
    %get3A_177 = arith.constant 0 : index
    %get3A_178 = arith.constant 0 : index
    %get3A_179 = vector.load %arg2[%get3A_177, %get3A_178] : memref<32x128xi32, #tpu.memory_space<vmem>>, vector<32x128xi32>
    %get3A_180 = arith.constant 0 : index
    %get3A_181 = memref.load %arg0[%get3A_180] : memref<9xi32, #tpu.memory_space<smem>>
    %jit3A_182 = arith.constant 128 : i32
    %div3A_183 = arith.divsi %get3A_181, %jit3A_182 : i32
    %sign3A_184 = arith.constant 0 : i32
    %sign3A_185 = arith.cmpi sgt, %get3A_181, %sign3A_184 : i32
    %sign3A_186 = arith.extui %sign3A_185 : i1 to i32
    %sign3A_187 = arith.constant 0 : i32
    %sign3A_188 = arith.cmpi slt, %get3A_181, %sign3A_187 : i32
    %sign3A_189 = arith.extui %sign3A_188 : i1 to i32
    %sign3A_190 = arith.subi %sign3A_186, %sign3A_189 : i32
    %sign3A_191 = arith.constant 0 : i32
    %sign3A_192 = arith.cmpi sgt, %jit3A_182, %sign3A_191 : i32
    %sign3A_193 = arith.extui %sign3A_192 : i1 to i32
    %sign3A_194 = arith.constant 0 : i32
    %sign3A_195 = arith.cmpi slt, %jit3A_182, %sign3A_194 : i32
    %sign3A_196 = arith.extui %sign3A_195 : i1 to i32
    %sign3A_197 = arith.subi %sign3A_193, %sign3A_196 : i32
    %ne3A_198 = arith.cmpi ne, %sign3A_190, %sign3A_197 : i32
    %rem3A_199 = arith.remsi %get3A_181, %jit3A_182 : i32
    %ne3A_200 = arith.constant 0 : i32
    %ne3A_201 = arith.cmpi ne, %rem3A_199, %ne3A_200 : i32
    %and3A_202 = arith.andi %ne3A_198, %ne3A_201 : i1
    %sub3A_203 = arith.constant 1 : i32
    %sub3A_204 = arith.subi %div3A_183, %sub3A_203 : i32
    %select_n3A_205 = arith.select %and3A_202, %sub3A_204, %div3A_183 : i32
    %mul3A_206 = arith.constant 128 : i32
    %mul3A_207 = arith.muli %select_n3A_205, %mul3A_206 : i32
    %min3A_208 = arith.constant 99840 : i32
    %min3A_209 = arith.minsi %mul3A_207, %min3A_208 : i32
    %multiple_of3A_210 = tpu.assume_multiple %min3A_209, 128 : i32
    %dma_wait3A = arith.constant 0 : i32
    %dma_wait3A_211 = arith.constant 0 : i32
    %dma_wait3A_212 = arith.constant 0 : i32
    %dma_wait3A_213 = tpu.memref_slice %arg4[%dma_wait3A, %dma_wait3A_211, %dma_wait3A_212] : memref<5x32x128xi32, #tpu.memory_space<vmem>> -> memref<1x32x128xi32, #tpu.memory_space<vmem>>
    %dma_wait3A_214 = tpu.memref_squeeze %dma_wait3A_213 : memref<1x32x128xi32, #tpu.memory_space<vmem>> -> memref<32x128xi32, #tpu.memory_space<vmem>>
    %dma_wait3A_215 = arith.constant 0 : i32
    %dma_wait3A_216 = tpu.memref_slice %arg1[%dma_wait3A_215, %multiple_of3A_210] : memref<32x100000xi32, #tpu.memory_space<any>> -> memref<32x128xi32, #tpu.memory_space<any>>
    tpu.wait_dma2 semaphore(%arg5 : memref<!tpu.dma_semaphore, #tpu.memory_space<semaphore_mem>>) src(%dma_wait3A_216 : memref<32x128xi32, #tpu.memory_space<any>>) dst(%dma_wait3A_214 : memref<32x128xi32, #tpu.memory_space<vmem>>)
    %ge3A = arith.constant 99872 : i32
    %ge3A_217 = arith.cmpi sge, %get3A_181, %ge3A : i32
    %jit3A_218 = arith.constant 128 : i32
    %div3A_219 = arith.divsi %get3A_181, %jit3A_218 : i32
    %sign3A_220 = arith.constant 0 : i32
    %sign3A_221 = arith.cmpi sgt, %get3A_181, %sign3A_220 : i32
    %sign3A_222 = arith.extui %sign3A_221 : i1 to i32
    %sign3A_223 = arith.constant 0 : i32
    %sign3A_224 = arith.cmpi slt, %get3A_181, %sign3A_223 : i32
    %sign3A_225 = arith.extui %sign3A_224 : i1 to i32
    %sign3A_226 = arith.subi %sign3A_222, %sign3A_225 : i32
    %sign3A_227 = arith.constant 0 : i32
    %sign3A_228 = arith.cmpi sgt, %jit3A_218, %sign3A_227 : i32
    %sign3A_229 = arith.extui %sign3A_228 : i1 to i32
    %sign3A_230 = arith.constant 0 : i32
    %sign3A_231 = arith.cmpi slt, %jit3A_218, %sign3A_230 : i32
    %sign3A_232 = arith.extui %sign3A_231 : i1 to i32
    %sign3A_233 = arith.subi %sign3A_229, %sign3A_232 : i32
    %ne3A_234 = arith.cmpi ne, %sign3A_226, %sign3A_233 : i32
    %rem3A_235 = arith.remsi %get3A_181, %jit3A_218 : i32
    %ne3A_236 = arith.constant 0 : i32
    %ne3A_237 = arith.cmpi ne, %rem3A_235, %ne3A_236 : i32
    %and3A_238 = arith.andi %ne3A_234, %ne3A_237 : i1
    %sub3A_239 = arith.constant 1 : i32
    %sub3A_240 = arith.subi %div3A_219, %sub3A_239 : i32
    %select_n3A_241 = arith.select %and3A_238, %sub3A_240, %div3A_219 : i32
    %mul3A_242 = arith.constant 128 : i32
    %mul3A_243 = arith.muli %select_n3A_241, %mul3A_242 : i32
    %min3A_244 = arith.constant 99840 : i32
    %min3A_245 = arith.minsi %mul3A_243, %min3A_244 : i32
    %multiple_of3A_246 = tpu.assume_multiple %min3A_245, 128 : i32
    %jit3A_247 = arith.constant 99872 : i32
    %select_n3A_248 = arith.select %ge3A_217, %jit3A_247, %multiple_of3A_246 : i32
    %sub3A_249 = arith.subi %get3A_181, %select_n3A_248 : i32
    %iota3A = tpu.iota {dimensions = array<i32: 1>} : vector<32x128xi32>
    %eq3A = vector.broadcast %sub3A_249 : i32 to vector<32x128xi32>
    %eq3A_250 = arith.cmpi eq, %iota3A, %eq3A : vector<32x128xi32>
    %get3A_251 = arith.constant 0 : index
    %get3A_252 = arith.constant 0 : index
    %get3A_253 = arith.constant 0 : index
    %get3A_254 = vector.load %arg4[%get3A_251, %get3A_252, %get3A_253] : memref<5x32x128xi32, #tpu.memory_space<vmem>>, vector<1x32x128xi32>
    %get3A_255 = vector.shape_cast %get3A_254 : vector<1x32x128xi32> to vector<32x128xi32>
    %select_n3A_256 = arith.select %ge3A_217, %get3A_179, %get3A_255 : vector<32x128xi32>
    %jit3A_257 = arith.constant 0 : i32
    %broadcast_in_dim3A = vector.broadcast %jit3A_257 : i32 to vector<32x128xi32>
    %select_n3A_258 = arith.select %eq3A_250, %select_n3A_256, %broadcast_in_dim3A : vector<32x128xi1>, vector<32x128xi32>
    %reduce_sum3A = arith.constant dense<0> : vector<32xi32>
    %reduce_sum3A_259 = vector.multi_reduction <add>, %select_n3A_258, %reduce_sum3A [1] : vector<32x128xi32> to vector<32xi32>
    %reshape3A = vector.shape_cast %reduce_sum3A_259 : vector<32xi32> to vector<1x32xi32>
    %broadcast_in_dim3A_260 = vector.broadcast %get3A_181 : i32 to vector<1x1xi32>
    %broadcast_in_dim3A_261 = arith.constant 0 : i32
    %broadcast_in_dim3A_262 = vector.broadcast %broadcast_in_dim3A_261 : i32 to vector<1x95xi32>
    %concatenate3A = tpu.concatenate %broadcast_in_dim3A_260, %reshape3A, %broadcast_in_dim3A_262 in 1 : vector<1x1xi32>, vector<1x32xi32>, vector<1x95xi32> -> vector<1x128xi32>
    %swap3A = arith.constant 0 : index
    %swap3A_263 = arith.constant 0 : index
    %swap3A_264 = vector.load %arg3[%swap3A, %swap3A_263] : memref<8x128xi32, #tpu.memory_space<vmem>>, vector<1x128xi32>
    tpu.vector_store %arg3[%swap3A, %swap3A_263], %concatenate3A {strides = array<i32>} : memref<8x128xi32, #tpu.memory_space<vmem>>, vector<1x128xi32>,
    %get3A_265 = arith.constant 2 : index
    %get3A_266 = memref.load %arg0[%get3A_265] : memref<9xi32, #tpu.memory_space<smem>>
    %jit3A_267 = arith.constant 128 : i32
    %div3A_268 = arith.divsi %get3A_266, %jit3A_267 : i32
    %sign3A_269 = arith.constant 0 : i32
    %sign3A_270 = arith.cmpi sgt, %get3A_266, %sign3A_269 : i32
    %sign3A_271 = arith.extui %sign3A_270 : i1 to i32
    %sign3A_272 = arith.constant 0 : i32
    %sign3A_273 = arith.cmpi slt, %get3A_266, %sign3A_272 : i32
    %sign3A_274 = arith.extui %sign3A_273 : i1 to i32
    %sign3A_275 = arith.subi %sign3A_271, %sign3A_274 : i32
    %sign3A_276 = arith.constant 0 : i32
    %sign3A_277 = arith.cmpi sgt, %jit3A_267, %sign3A_276 : i32
    %sign3A_278 = arith.extui %sign3A_277 : i1 to i32
    %sign3A_279 = arith.constant 0 : i32
    %sign3A_280 = arith.cmpi slt, %jit3A_267, %sign3A_279 : i32
    %sign3A_281 = arith.extui %sign3A_280 : i1 to i32
    %sign3A_282 = arith.subi %sign3A_278, %sign3A_281 : i32
    %ne3A_283 = arith.cmpi ne, %sign3A_275, %sign3A_282 : i32
    %rem3A_284 = arith.remsi %get3A_266, %jit3A_267 : i32
    %ne3A_285 = arith.constant 0 : i32
    %ne3A_286 = arith.cmpi ne, %rem3A_284, %ne3A_285 : i32
    %and3A_287 = arith.andi %ne3A_283, %ne3A_286 : i1
    %sub3A_288 = arith.constant 1 : i32
    %sub3A_289 = arith.subi %div3A_268, %sub3A_288 : i32
    %select_n3A_290 = arith.select %and3A_287, %sub3A_289, %div3A_268 : i32
    %mul3A_291 = arith.constant 128 : i32
    %mul3A_292 = arith.muli %select_n3A_290, %mul3A_291 : i32
    %min3A_293 = arith.constant 99840 : i32
    %min3A_294 = arith.minsi %mul3A_292, %min3A_293 : i32
    %multiple_of3A_295 = tpu.assume_multiple %min3A_294, 128 : i32
    %dma_wait3A_296 = arith.constant 1 : i32
    %dma_wait3A_297 = arith.constant 0 : i32
    %dma_wait3A_298 = arith.constant 0 : i32
    %dma_wait3A_299 = tpu.memref_slice %arg4[%dma_wait3A_296, %dma_wait3A_297, %dma_wait3A_298] : memref<5x32x128xi32, #tpu.memory_space<vmem>> -> memref<1x32x128xi32, #tpu.memory_space<vmem>>
    %dma_wait3A_300 = tpu.memref_squeeze %dma_wait3A_299 : memref<1x32x128xi32, #tpu.memory_space<vmem>> -> memref<32x128xi32, #tpu.memory_space<vmem>>
    %dma_wait3A_301 = arith.constant 0 : i32
    %dma_wait3A_302 = tpu.memref_slice %arg1[%dma_wait3A_301, %multiple_of3A_295] : memref<32x100000xi32, #tpu.memory_space<any>> -> memref<32x128xi32, #tpu.memory_space<any>>
    tpu.wait_dma2 semaphore(%arg5 : memref<!tpu.dma_semaphore, #tpu.memory_space<semaphore_mem>>) src(%dma_wait3A_302 : memref<32x128xi32, #tpu.memory_space<any>>) dst(%dma_wait3A_300 : memref<32x128xi32, #tpu.memory_space<vmem>>)
    %ge3A_303 = arith.constant 99872 : i32
    %ge3A_304 = arith.cmpi sge, %get3A_266, %ge3A_303 : i32
    %jit3A_305 = arith.constant 128 : i32
    %div3A_306 = arith.divsi %get3A_266, %jit3A_305 : i32
    %sign3A_307 = arith.constant 0 : i32
    %sign3A_308 = arith.cmpi sgt, %get3A_266, %sign3A_307 : i32
    %sign3A_309 = arith.extui %sign3A_308 : i1 to i32
    %sign3A_310 = arith.constant 0 : i32
    %sign3A_311 = arith.cmpi slt, %get3A_266, %sign3A_310 : i32
    %sign3A_312 = arith.extui %sign3A_311 : i1 to i32
    %sign3A_313 = arith.subi %sign3A_309, %sign3A_312 : i32
    %sign3A_314 = arith.constant 0 : i32
    %sign3A_315 = arith.cmpi sgt, %jit3A_305, %sign3A_314 : i32
    %sign3A_316 = arith.extui %sign3A_315 : i1 to i32
    %sign3A_317 = arith.constant 0 : i32
    %sign3A_318 = arith.cmpi slt, %jit3A_305, %sign3A_317 : i32
    %sign3A_319 = arith.extui %sign3A_318 : i1 to i32
    %sign3A_320 = arith.subi %sign3A_316, %sign3A_319 : i32
    %ne3A_321 = arith.cmpi ne, %sign3A_313, %sign3A_320 : i32
    %rem3A_322 = arith.remsi %get3A_266, %jit3A_305 : i32
    %ne3A_323 = arith.constant 0 : i32
    %ne3A_324 = arith.cmpi ne, %rem3A_322, %ne3A_323 : i32
    %and3A_325 = arith.andi %ne3A_321, %ne3A_324 : i1
    %sub3A_326 = arith.constant 1 : i32
    %sub3A_327 = arith.subi %div3A_306, %sub3A_326 : i32
    %select_n3A_328 = arith.select %and3A_325, %sub3A_327, %div3A_306 : i32
    %mul3A_329 = arith.constant 128 : i32
    %mul3A_330 = arith.muli %select_n3A_328, %mul3A_329 : i32
    %min3A_331 = arith.constant 99840 : i32
    %min3A_332 = arith.minsi %mul3A_330, %min3A_331 : i32
    %multiple_of3A_333 = tpu.assume_multiple %min3A_332, 128 : i32
    %jit3A_334 = arith.constant 99872 : i32
    %select_n3A_335 = arith.select %ge3A_304, %jit3A_334, %multiple_of3A_333 : i32
    %sub3A_336 = arith.subi %get3A_266, %select_n3A_335 : i32
    %iota3A_337 = tpu.iota {dimensions = array<i32: 1>} : vector<32x128xi32>
    %eq3A_338 = vector.broadcast %sub3A_336 : i32 to vector<32x128xi32>
    %eq3A_339 = arith.cmpi eq, %iota3A_337, %eq3A_338 : vector<32x128xi32>
    %get3A_340 = arith.constant 1 : index
    %get3A_341 = arith.constant 0 : index
    %get3A_342 = arith.constant 0 : index
    %get3A_343 = vector.load %arg4[%get3A_340, %get3A_341, %get3A_342] : memref<5x32x128xi32, #tpu.memory_space<vmem>>, vector<1x32x128xi32>
    %get3A_344 = vector.shape_cast %get3A_343 : vector<1x32x128xi32> to vector<32x128xi32>
    %select_n3A_345 = arith.select %ge3A_304, %get3A_179, %get3A_344 : vector<32x128xi32>
    %jit3A_346 = arith.constant 0 : i32
    %broadcast_in_dim3A_347 = vector.broadcast %jit3A_346 : i32 to vector<32x128xi32>
    %select_n3A_348 = arith.select %eq3A_339, %select_n3A_345, %broadcast_in_dim3A_347 : vector<32x128xi1>, vector<32x128xi32>
    %reduce_sum3A_349 = arith.constant dense<0> : vector<32xi32>
    %reduce_sum3A_350 = vector.multi_reduction <add>, %select_n3A_348, %reduce_sum3A_349 [1] : vector<32x128xi32> to vector<32xi32>
    %reshape3A_351 = vector.shape_cast %reduce_sum3A_350 : vector<32xi32> to vector<1x32xi32>
    %broadcast_in_dim3A_352 = vector.broadcast %get3A_266 : i32 to vector<1x1xi32>
    %broadcast_in_dim3A_353 = arith.constant 0 : i32
    %broadcast_in_dim3A_354 = vector.broadcast %broadcast_in_dim3A_353 : i32 to vector<1x95xi32>
    %concatenate3A_355 = tpu.concatenate %broadcast_in_dim3A_352, %reshape3A_351, %broadcast_in_dim3A_354 in 1 : vector<1x1xi32>, vector<1x32xi32>, vector<1x95xi32> -> vector<1x128xi32>
    %swap3A_356 = arith.constant 1 : index
    %swap3A_357 = arith.constant 0 : index
    %swap3A_358 = vector.load %arg3[%swap3A_356, %swap3A_357] : memref<8x128xi32, #tpu.memory_space<vmem>>, vector<1x128xi32>
    tpu.vector_store %arg3[%swap3A_356, %swap3A_357], %concatenate3A_355 {strides = array<i32>} : memref<8x128xi32, #tpu.memory_space<vmem>>, vector<1x128xi32>,
    %get3A_359 = arith.constant 4 : index
    %get3A_360 = memref.load %arg0[%get3A_359] : memref<9xi32, #tpu.memory_space<smem>>
    %jit3A_361 = arith.constant 128 : i32
    %div3A_362 = arith.divsi %get3A_360, %jit3A_361 : i32
    %sign3A_363 = arith.constant 0 : i32
    %sign3A_364 = arith.cmpi sgt, %get3A_360, %sign3A_363 : i32
    %sign3A_365 = arith.extui %sign3A_364 : i1 to i32
    %sign3A_366 = arith.constant 0 : i32
    %sign3A_367 = arith.cmpi slt, %get3A_360, %sign3A_366 : i32
    %sign3A_368 = arith.extui %sign3A_367 : i1 to i32
    %sign3A_369 = arith.subi %sign3A_365, %sign3A_368 : i32
    %sign3A_370 = arith.constant 0 : i32
    %sign3A_371 = arith.cmpi sgt, %jit3A_361, %sign3A_370 : i32
    %sign3A_372 = arith.extui %sign3A_371 : i1 to i32
    %sign3A_373 = arith.constant 0 : i32
    %sign3A_374 = arith.cmpi slt, %jit3A_361, %sign3A_373 : i32
    %sign3A_375 = arith.extui %sign3A_374 : i1 to i32
    %sign3A_376 = arith.subi %sign3A_372, %sign3A_375 : i32
    %ne3A_377 = arith.cmpi ne, %sign3A_369, %sign3A_376 : i32
    %rem3A_378 = arith.remsi %get3A_360, %jit3A_361 : i32
    %ne3A_379 = arith.constant 0 : i32
    %ne3A_380 = arith.cmpi ne, %rem3A_378, %ne3A_379 : i32
    %and3A_381 = arith.andi %ne3A_377, %ne3A_380 : i1
    %sub3A_382 = arith.constant 1 : i32
    %sub3A_383 = arith.subi %div3A_362, %sub3A_382 : i32
    %select_n3A_384 = arith.select %and3A_381, %sub3A_383, %div3A_362 : i32
    %mul3A_385 = arith.constant 128 : i32
    %mul3A_386 = arith.muli %select_n3A_384, %mul3A_385 : i32
    %min3A_387 = arith.constant 99840 : i32
    %min3A_388 = arith.minsi %mul3A_386, %min3A_387 : i32
    %multiple_of3A_389 = tpu.assume_multiple %min3A_388, 128 : i32
    %dma_wait3A_390 = arith.constant 2 : i32
    %dma_wait3A_391 = arith.constant 0 : i32
    %dma_wait3A_392 = arith.constant 0 : i32
    %dma_wait3A_393 = tpu.memref_slice %arg4[%dma_wait3A_390, %dma_wait3A_391, %dma_wait3A_392] : memref<5x32x128xi32, #tpu.memory_space<vmem>> -> memref<1x32x128xi32, #tpu.memory_space<vmem>>
    %dma_wait3A_394 = tpu.memref_squeeze %dma_wait3A_393 : memref<1x32x128xi32, #tpu.memory_space<vmem>> -> memref<32x128xi32, #tpu.memory_space<vmem>>
    %dma_wait3A_395 = arith.constant 0 : i32
    %dma_wait3A_396 = tpu.memref_slice %arg1[%dma_wait3A_395, %multiple_of3A_389] : memref<32x100000xi32, #tpu.memory_space<any>> -> memref<32x128xi32, #tpu.memory_space<any>>
    tpu.wait_dma2 semaphore(%arg5 : memref<!tpu.dma_semaphore, #tpu.memory_space<semaphore_mem>>) src(%dma_wait3A_396 : memref<32x128xi32, #tpu.memory_space<any>>) dst(%dma_wait3A_394 : memref<32x128xi32, #tpu.memory_space<vmem>>)
    %ge3A_397 = arith.constant 99872 : i32
    %ge3A_398 = arith.cmpi sge, %get3A_360, %ge3A_397 : i32
    %jit3A_399 = arith.constant 128 : i32
    %div3A_400 = arith.divsi %get3A_360, %jit3A_399 : i32
    %sign3A_401 = arith.constant 0 : i32
    %sign3A_402 = arith.cmpi sgt, %get3A_360, %sign3A_401 : i32
    %sign3A_403 = arith.extui %sign3A_402 : i1 to i32
    %sign3A_404 = arith.constant 0 : i32
    %sign3A_405 = arith.cmpi slt, %get3A_360, %sign3A_404 : i32
    %sign3A_406 = arith.extui %sign3A_405 : i1 to i32
    %sign3A_407 = arith.subi %sign3A_403, %sign3A_406 : i32
    %sign3A_408 = arith.constant 0 : i32
    %sign3A_409 = arith.cmpi sgt, %jit3A_399, %sign3A_408 : i32
    %sign3A_410 = arith.extui %sign3A_409 : i1 to i32
    %sign3A_411 = arith.constant 0 : i32
    %sign3A_412 = arith.cmpi slt, %jit3A_399, %sign3A_411 : i32
    %sign3A_413 = arith.extui %sign3A_412 : i1 to i32
    %sign3A_414 = arith.subi %sign3A_410, %sign3A_413 : i32
    %ne3A_415 = arith.cmpi ne, %sign3A_407, %sign3A_414 : i32
    %rem3A_416 = arith.remsi %get3A_360, %jit3A_399 : i32
    %ne3A_417 = arith.constant 0 : i32
    %ne3A_418 = arith.cmpi ne, %rem3A_416, %ne3A_417 : i32
    %and3A_419 = arith.andi %ne3A_415, %ne3A_418 : i1
    %sub3A_420 = arith.constant 1 : i32
    %sub3A_421 = arith.subi %div3A_400, %sub3A_420 : i32
    %select_n3A_422 = arith.select %and3A_419, %sub3A_421, %div3A_400 : i32
    %mul3A_423 = arith.constant 128 : i32
    %mul3A_424 = arith.muli %select_n3A_422, %mul3A_423 : i32
    %min3A_425 = arith.constant 99840 : i32
    %min3A_426 = arith.minsi %mul3A_424, %min3A_425 : i32
    %multiple_of3A_427 = tpu.assume_multiple %min3A_426, 128 : i32
    %jit3A_428 = arith.constant 99872 : i32
    %select_n3A_429 = arith.select %ge3A_398, %jit3A_428, %multiple_of3A_427 : i32
    %sub3A_430 = arith.subi %get3A_360, %select_n3A_429 : i32
    %iota3A_431 = tpu.iota {dimensions = array<i32: 1>} : vector<32x128xi32>
    %eq3A_432 = vector.broadcast %sub3A_430 : i32 to vector<32x128xi32>
    %eq3A_433 = arith.cmpi eq, %iota3A_431, %eq3A_432 : vector<32x128xi32>
    %get3A_434 = arith.constant 2 : index
    %get3A_435 = arith.constant 0 : index
    %get3A_436 = arith.constant 0 : index
    %get3A_437 = vector.load %arg4[%get3A_434, %get3A_435, %get3A_436] : memref<5x32x128xi32, #tpu.memory_space<vmem>>, vector<1x32x128xi32>
    %get3A_438 = vector.shape_cast %get3A_437 : vector<1x32x128xi32> to vector<32x128xi32>
    %select_n3A_439 = arith.select %ge3A_398, %get3A_179, %get3A_438 : vector<32x128xi32>
    %jit3A_440 = arith.constant 0 : i32
    %broadcast_in_dim3A_441 = vector.broadcast %jit3A_440 : i32 to vector<32x128xi32>
    %select_n3A_442 = arith.select %eq3A_433, %select_n3A_439, %broadcast_in_dim3A_441 : vector<32x128xi1>, vector<32x128xi32>
    %reduce_sum3A_443 = arith.constant dense<0> : vector<32xi32>
    %reduce_sum3A_444 = vector.multi_reduction <add>, %select_n3A_442, %reduce_sum3A_443 [1] : vector<32x128xi32> to vector<32xi32>
    %reshape3A_445 = vector.shape_cast %reduce_sum3A_444 : vector<32xi32> to vector<1x32xi32>
    %broadcast_in_dim3A_446 = vector.broadcast %get3A_360 : i32 to vector<1x1xi32>
    %broadcast_in_dim3A_447 = arith.constant 0 : i32
    %broadcast_in_dim3A_448 = vector.broadcast %broadcast_in_dim3A_447 : i32 to vector<1x95xi32>
    %concatenate3A_449 = tpu.concatenate %broadcast_in_dim3A_446, %reshape3A_445, %broadcast_in_dim3A_448 in 1 : vector<1x1xi32>, vector<1x32xi32>, vector<1x95xi32> -> vector<1x128xi32>
    %swap3A_450 = arith.constant 2 : index
    %swap3A_451 = arith.constant 0 : index
    %swap3A_452 = vector.load %arg3[%swap3A_450, %swap3A_451] : memref<8x128xi32, #tpu.memory_space<vmem>>, vector<1x128xi32>
    tpu.vector_store %arg3[%swap3A_450, %swap3A_451], %concatenate3A_449 {strides = array<i32>} : memref<8x128xi32, #tpu.memory_space<vmem>>, vector<1x128xi32>,
    %get3A_453 = arith.constant 6 : index
    %get3A_454 = memref.load %arg0[%get3A_453] : memref<9xi32, #tpu.memory_space<smem>>
    %jit3A_455 = arith.constant 128 : i32
    %div3A_456 = arith.divsi %get3A_454, %jit3A_455 : i32
    %sign3A_457 = arith.constant 0 : i32
    %sign3A_458 = arith.cmpi sgt, %get3A_454, %sign3A_457 : i32
    %sign3A_459 = arith.extui %sign3A_458 : i1 to i32
    %sign3A_460 = arith.constant 0 : i32
    %sign3A_461 = arith.cmpi slt, %get3A_454, %sign3A_460 : i32
    %sign3A_462 = arith.extui %sign3A_461 : i1 to i32
    %sign3A_463 = arith.subi %sign3A_459, %sign3A_462 : i32
    %sign3A_464 = arith.constant 0 : i32
    %sign3A_465 = arith.cmpi sgt, %jit3A_455, %sign3A_464 : i32
    %sign3A_466 = arith.extui %sign3A_465 : i1 to i32
    %sign3A_467 = arith.constant 0 : i32
    %sign3A_468 = arith.cmpi slt, %jit3A_455, %sign3A_467 : i32
    %sign3A_469 = arith.extui %sign3A_468 : i1 to i32
    %sign3A_470 = arith.subi %sign3A_466, %sign3A_469 : i32
    %ne3A_471 = arith.cmpi ne, %sign3A_463, %sign3A_470 : i32
    %rem3A_472 = arith.remsi %get3A_454, %jit3A_455 : i32
    %ne3A_473 = arith.constant 0 : i32
    %ne3A_474 = arith.cmpi ne, %rem3A_472, %ne3A_473 : i32
    %and3A_475 = arith.andi %ne3A_471, %ne3A_474 : i1
    %sub3A_476 = arith.constant 1 : i32
    %sub3A_477 = arith.subi %div3A_456, %sub3A_476 : i32
    %select_n3A_478 = arith.select %and3A_475, %sub3A_477, %div3A_456 : i32
    %mul3A_479 = arith.constant 128 : i32
    %mul3A_480 = arith.muli %select_n3A_478, %mul3A_479 : i32
    %min3A_481 = arith.constant 99840 : i32
    %min3A_482 = arith.minsi %mul3A_480, %min3A_481 : i32
    %multiple_of3A_483 = tpu.assume_multiple %min3A_482, 128 : i32
    %dma_wait3A_484 = arith.constant 3 : i32
    %dma_wait3A_485 = arith.constant 0 : i32
    %dma_wait3A_486 = arith.constant 0 : i32
    %dma_wait3A_487 = tpu.memref_slice %arg4[%dma_wait3A_484, %dma_wait3A_485, %dma_wait3A_486] : memref<5x32x128xi32, #tpu.memory_space<vmem>> -> memref<1x32x128xi32, #tpu.memory_space<vmem>>
    %dma_wait3A_488 = tpu.memref_squeeze %dma_wait3A_487 : memref<1x32x128xi32, #tpu.memory_space<vmem>> -> memref<32x128xi32, #tpu.memory_space<vmem>>
    %dma_wait3A_489 = arith.constant 0 : i32
    %dma_wait3A_490 = tpu.memref_slice %arg1[%dma_wait3A_489, %multiple_of3A_483] : memref<32x100000xi32, #tpu.memory_space<any>> -> memref<32x128xi32, #tpu.memory_space<any>>
    tpu.wait_dma2 semaphore(%arg5 : memref<!tpu.dma_semaphore, #tpu.memory_space<semaphore_mem>>) src(%dma_wait3A_490 : memref<32x128xi32, #tpu.memory_space<any>>) dst(%dma_wait3A_488 : memref<32x128xi32, #tpu.memory_space<vmem>>)
    %ge3A_491 = arith.constant 99872 : i32
    %ge3A_492 = arith.cmpi sge, %get3A_454, %ge3A_491 : i32
    %jit3A_493 = arith.constant 128 : i32
    %div3A_494 = arith.divsi %get3A_454, %jit3A_493 : i32
    %sign3A_495 = arith.constant 0 : i32
    %sign3A_496 = arith.cmpi sgt, %get3A_454, %sign3A_495 : i32
    %sign3A_497 = arith.extui %sign3A_496 : i1 to i32
    %sign3A_498 = arith.constant 0 : i32
    %sign3A_499 = arith.cmpi slt, %get3A_454, %sign3A_498 : i32
    %sign3A_500 = arith.extui %sign3A_499 : i1 to i32
    %sign3A_501 = arith.subi %sign3A_497, %sign3A_500 : i32
    %sign3A_502 = arith.constant 0 : i32
    %sign3A_503 = arith.cmpi sgt, %jit3A_493, %sign3A_502 : i32
    %sign3A_504 = arith.extui %sign3A_503 : i1 to i32
    %sign3A_505 = arith.constant 0 : i32
    %sign3A_506 = arith.cmpi slt, %jit3A_493, %sign3A_505 : i32
    %sign3A_507 = arith.extui %sign3A_506 : i1 to i32
    %sign3A_508 = arith.subi %sign3A_504, %sign3A_507 : i32
    %ne3A_509 = arith.cmpi ne, %sign3A_501, %sign3A_508 : i32
    %rem3A_510 = arith.remsi %get3A_454, %jit3A_493 : i32
    %ne3A_511 = arith.constant 0 : i32
    %ne3A_512 = arith.cmpi ne, %rem3A_510, %ne3A_511 : i32
    %and3A_513 = arith.andi %ne3A_509, %ne3A_512 : i1
    %sub3A_514 = arith.constant 1 : i32
    %sub3A_515 = arith.subi %div3A_494, %sub3A_514 : i32
    %select_n3A_516 = arith.select %and3A_513, %sub3A_515, %div3A_494 : i32
    %mul3A_517 = arith.constant 128 : i32
    %mul3A_518 = arith.muli %select_n3A_516, %mul3A_517 : i32
    %min3A_519 = arith.constant 99840 : i32
    %min3A_520 = arith.minsi %mul3A_518, %min3A_519 : i32
    %multiple_of3A_521 = tpu.assume_multiple %min3A_520, 128 : i32
    %jit3A_522 = arith.constant 99872 : i32
    %select_n3A_523 = arith.select %ge3A_492, %jit3A_522, %multiple_of3A_521 : i32
    %sub3A_524 = arith.subi %get3A_454, %select_n3A_523 : i32
    %iota3A_525 = tpu.iota {dimensions = array<i32: 1>} : vector<32x128xi32>
    %eq3A_526 = vector.broadcast %sub3A_524 : i32 to vector<32x128xi32>
    %eq3A_527 = arith.cmpi eq, %iota3A_525, %eq3A_526 : vector<32x128xi32>
    %get3A_528 = arith.constant 3 : index
    %get3A_529 = arith.constant 0 : index
    %get3A_530 = arith.constant 0 : index
    %get3A_531 = vector.load %arg4[%get3A_528, %get3A_529, %get3A_530] : memref<5x32x128xi32, #tpu.memory_space<vmem>>, vector<1x32x128xi32>
    %get3A_532 = vector.shape_cast %get3A_531 : vector<1x32x128xi32> to vector<32x128xi32>
    %select_n3A_533 = arith.select %ge3A_492, %get3A_179, %get3A_532 : vector<32x128xi32>
    %jit3A_534 = arith.constant 0 : i32
    %broadcast_in_dim3A_535 = vector.broadcast %jit3A_534 : i32 to vector<32x128xi32>
    %select_n3A_536 = arith.select %eq3A_527, %select_n3A_533, %broadcast_in_dim3A_535 : vector<32x128xi1>, vector<32x128xi32>
    %reduce_sum3A_537 = arith.constant dense<0> : vector<32xi32>
    %reduce_sum3A_538 = vector.multi_reduction <add>, %select_n3A_536, %reduce_sum3A_537 [1] : vector<32x128xi32> to vector<32xi32>
    %reshape3A_539 = vector.shape_cast %reduce_sum3A_538 : vector<32xi32> to vector<1x32xi32>
    %broadcast_in_dim3A_540 = vector.broadcast %get3A_454 : i32 to vector<1x1xi32>
    %broadcast_in_dim3A_541 = arith.constant 0 : i32
    %broadcast_in_dim3A_542 = vector.broadcast %broadcast_in_dim3A_541 : i32 to vector<1x95xi32>
    %concatenate3A_543 = tpu.concatenate %broadcast_in_dim3A_540, %reshape3A_539, %broadcast_in_dim3A_542 in 1 : vector<1x1xi32>, vector<1x32xi32>, vector<1x95xi32> -> vector<1x128xi32>
    %swap3A_544 = arith.constant 3 : index
    %swap3A_545 = arith.constant 0 : index
    %swap3A_546 = vector.load %arg3[%swap3A_544, %swap3A_545] : memref<8x128xi32, #tpu.memory_space<vmem>>, vector<1x128xi32>
    tpu.vector_store %arg3[%swap3A_544, %swap3A_545], %concatenate3A_543 {strides = array<i32>} : memref<8x128xi32, #tpu.memory_space<vmem>>, vector<1x128xi32>,
    %get3A_547 = arith.constant 8 : index
    %get3A_548 = memref.load %arg0[%get3A_547] : memref<9xi32, #tpu.memory_space<smem>>
    %jit3A_549 = arith.constant 128 : i32
    %div3A_550 = arith.divsi %get3A_548, %jit3A_549 : i32
    %sign3A_551 = arith.constant 0 : i32
    %sign3A_552 = arith.cmpi sgt, %get3A_548, %sign3A_551 : i32
    %sign3A_553 = arith.extui %sign3A_552 : i1 to i32
    %sign3A_554 = arith.constant 0 : i32
    %sign3A_555 = arith.cmpi slt, %get3A_548, %sign3A_554 : i32
    %sign3A_556 = arith.extui %sign3A_555 : i1 to i32
    %sign3A_557 = arith.subi %sign3A_553, %sign3A_556 : i32
    %sign3A_558 = arith.constant 0 : i32
    %sign3A_559 = arith.cmpi sgt, %jit3A_549, %sign3A_558 : i32
    %sign3A_560 = arith.extui %sign3A_559 : i1 to i32
    %sign3A_561 = arith.constant 0 : i32
    %sign3A_562 = arith.cmpi slt, %jit3A_549, %sign3A_561 : i32
    %sign3A_563 = arith.extui %sign3A_562 : i1 to i32
    %sign3A_564 = arith.subi %sign3A_560, %sign3A_563 : i32
    %ne3A_565 = arith.cmpi ne, %sign3A_557, %sign3A_564 : i32
    %rem3A_566 = arith.remsi %get3A_548, %jit3A_549 : i32
    %ne3A_567 = arith.constant 0 : i32
    %ne3A_568 = arith.cmpi ne, %rem3A_566, %ne3A_567 : i32
    %and3A_569 = arith.andi %ne3A_565, %ne3A_568 : i1
    %sub3A_570 = arith.constant 1 : i32
    %sub3A_571 = arith.subi %div3A_550, %sub3A_570 : i32
    %select_n3A_572 = arith.select %and3A_569, %sub3A_571, %div3A_550 : i32
    %mul3A_573 = arith.constant 128 : i32
    %mul3A_574 = arith.muli %select_n3A_572, %mul3A_573 : i32
    %min3A_575 = arith.constant 99840 : i32
    %min3A_576 = arith.minsi %mul3A_574, %min3A_575 : i32
    %multiple_of3A_577 = tpu.assume_multiple %min3A_576, 128 : i32
    %dma_wait3A_578 = arith.constant 4 : i32
    %dma_wait3A_579 = arith.constant 0 : i32
    %dma_wait3A_580 = arith.constant 0 : i32
    %dma_wait3A_581 = tpu.memref_slice %arg4[%dma_wait3A_578, %dma_wait3A_579, %dma_wait3A_580] : memref<5x32x128xi32, #tpu.memory_space<vmem>> -> memref<1x32x128xi32, #tpu.memory_space<vmem>>
    %dma_wait3A_582 = tpu.memref_squeeze %dma_wait3A_581 : memref<1x32x128xi32, #tpu.memory_space<vmem>> -> memref<32x128xi32, #tpu.memory_space<vmem>>
    %dma_wait3A_583 = arith.constant 0 : i32
    %dma_wait3A_584 = tpu.memref_slice %arg1[%dma_wait3A_583, %multiple_of3A_577] : memref<32x100000xi32, #tpu.memory_space<any>> -> memref<32x128xi32, #tpu.memory_space<any>>
    tpu.wait_dma2 semaphore(%arg5 : memref<!tpu.dma_semaphore, #tpu.memory_space<semaphore_mem>>) src(%dma_wait3A_584 : memref<32x128xi32, #tpu.memory_space<any>>) dst(%dma_wait3A_582 : memref<32x128xi32, #tpu.memory_space<vmem>>)
    %ge3A_585 = arith.constant 99872 : i32
    %ge3A_586 = arith.cmpi sge, %get3A_548, %ge3A_585 : i32
    %jit3A_587 = arith.constant 128 : i32
    %div3A_588 = arith.divsi %get3A_548, %jit3A_587 : i32
    %sign3A_589 = arith.constant 0 : i32
    %sign3A_590 = arith.cmpi sgt, %get3A_548, %sign3A_589 : i32
    %sign3A_591 = arith.extui %sign3A_590 : i1 to i32
    %sign3A_592 = arith.constant 0 : i32
    %sign3A_593 = arith.cmpi slt, %get3A_548, %sign3A_592 : i32
    %sign3A_594 = arith.extui %sign3A_593 : i1 to i32
    %sign3A_595 = arith.subi %sign3A_591, %sign3A_594 : i32
    %sign3A_596 = arith.constant 0 : i32
    %sign3A_597 = arith.cmpi sgt, %jit3A_587, %sign3A_596 : i32
    %sign3A_598 = arith.extui %sign3A_597 : i1 to i32
    %sign3A_599 = arith.constant 0 : i32
    %sign3A_600 = arith.cmpi slt, %jit3A_587, %sign3A_599 : i32
    %sign3A_601 = arith.extui %sign3A_600 : i1 to i32
    %sign3A_602 = arith.subi %sign3A_598, %sign3A_601 : i32
    %ne3A_603 = arith.cmpi ne, %sign3A_595, %sign3A_602 : i32
    %rem3A_604 = arith.remsi %get3A_548, %jit3A_587 : i32
    %ne3A_605 = arith.constant 0 : i32
    %ne3A_606 = arith.cmpi ne, %rem3A_604, %ne3A_605 : i32
    %and3A_607 = arith.andi %ne3A_603, %ne3A_606 : i1
    %sub3A_608 = arith.constant 1 : i32
    %sub3A_609 = arith.subi %div3A_588, %sub3A_608 : i32
    %select_n3A_610 = arith.select %and3A_607, %sub3A_609, %div3A_588 : i32
    %mul3A_611 = arith.constant 128 : i32
    %mul3A_612 = arith.muli %select_n3A_610, %mul3A_611 : i32
    %min3A_613 = arith.constant 99840 : i32
    %min3A_614 = arith.minsi %mul3A_612, %min3A_613 : i32
    %multiple_of3A_615 = tpu.assume_multiple %min3A_614, 128 : i32
    %jit3A_616 = arith.constant 99872 : i32
    %select_n3A_617 = arith.select %ge3A_586, %jit3A_616, %multiple_of3A_615 : i32
    %sub3A_618 = arith.subi %get3A_548, %select_n3A_617 : i32
    %iota3A_619 = tpu.iota {dimensions = array<i32: 1>} : vector<32x128xi32>
    %eq3A_620 = vector.broadcast %sub3A_618 : i32 to vector<32x128xi32>
    %eq3A_621 = arith.cmpi eq, %iota3A_619, %eq3A_620 : vector<32x128xi32>
    %get3A_622 = arith.constant 4 : index
    %get3A_623 = arith.constant 0 : index
    %get3A_624 = arith.constant 0 : index
    %get3A_625 = vector.load %arg4[%get3A_622, %get3A_623, %get3A_624] : memref<5x32x128xi32, #tpu.memory_space<vmem>>, vector<1x32x128xi32>
    %get3A_626 = vector.shape_cast %get3A_625 : vector<1x32x128xi32> to vector<32x128xi32>
    %select_n3A_627 = arith.select %ge3A_586, %get3A_179, %get3A_626 : vector<32x128xi32>
    %jit3A_628 = arith.constant 0 : i32
    %broadcast_in_dim3A_629 = vector.broadcast %jit3A_628 : i32 to vector<32x128xi32>
    %select_n3A_630 = arith.select %eq3A_621, %select_n3A_627, %broadcast_in_dim3A_629 : vector<32x128xi1>, vector<32x128xi32>
    %reduce_sum3A_631 = arith.constant dense<0> : vector<32xi32>
    %reduce_sum3A_632 = vector.multi_reduction <add>, %select_n3A_630, %reduce_sum3A_631 [1] : vector<32x128xi32> to vector<32xi32>
    %reshape3A_633 = vector.shape_cast %reduce_sum3A_632 : vector<32xi32> to vector<1x32xi32>
    %broadcast_in_dim3A_634 = vector.broadcast %get3A_548 : i32 to vector<1x1xi32>
    %broadcast_in_dim3A_635 = arith.constant 0 : i32
    %broadcast_in_dim3A_636 = vector.broadcast %broadcast_in_dim3A_635 : i32 to vector<1x95xi32>
    %concatenate3A_637 = tpu.concatenate %broadcast_in_dim3A_634, %reshape3A_633, %broadcast_in_dim3A_636 in 1 : vector<1x1xi32>, vector<1x32xi32>, vector<1x95xi32> -> vector<1x128xi32>
    %swap3A_638 = arith.constant 4 : index
    %swap3A_639 = arith.constant 0 : index
    %swap3A_640 = vector.load %arg3[%swap3A_638, %swap3A_639] : memref<8x128xi32, #tpu.memory_space<vmem>>, vector<1x128xi32>
    tpu.vector_store %arg3[%swap3A_638, %swap3A_639], %concatenate3A_637 {strides = array<i32>} : memref<8x128xi32, #tpu.memory_space<vmem>>, vector<1x128xi32>,
    return
  }
}

</mosaic_0001>

<sc_bundles>
// kernel: kernel.6.cloned.1.call-start
scs
__scs_entry_jumppad:
0x0: {  	(pc) =	sbr.rel $0x88, $3  }
0x1: {  	(tag) =	ssettag $0x0;
	lr =	simm.s32 $0x1  }
0x2: {  	[smem:$0x3F93] =	sst lr;
	_ =	strace $0xD0000000  }
0x3: {  	_ = 	snop  }
0x4: {  	_ = 	snop  }
0x5: {  	_ = 	snop  }
0x6: {  	_ = 	snop  }
0x7: {  	_ = 	snop  }
__scs_overlays_trampoline_lowered:
0x8: {  	[smem:$0x3FA2] =	sst s0  }
0x9: {  	[smem:$0x3FA3] =	sst s1  }
0xa: {  	[smem:$0x3FA4] =	sst s2  }
0xb: {  	[smem:$0x3FA5] =	sst s3  }
0xc: {  	[smem:$0x3FA6] =	sst s4  }
0xd: {  	[smem:$0x3FA7] =	sst s5  }
0xe: {  	[smem:$0x3FA8] =	sst s6  }
0xf: {  	[smem:$0x3FA9] =	sst s7  }
0x10: {  	[smem:$0x3FAA] =	sst s8  }
0x11: {  	[smem:$0x3FAB] =	sst s9;
	s0 =	simm.s32 @!p0 $0x0  }
0x12: {  	s1 =	sld [smem:$0x3F91];
	s0 =	simm.s32 @p0 $0x1  }
0x13: {  	[smem:$0x3FAC] =	sst s0;
	s0 =	simm.s32 @!p1 $0x0  }
0x14: {  	s2 =	sld [smem:$0x3F90];
	s0 =	simm.s32 @p1 $0x1  }
0x15: {  	[smem:$0x3FAD] =	sst s0;
	s0 =	simm.s32 @!p2 $0x0  }
0x16: {  	s3 =	sld [smem:$0x3FDB];
	s0 =	simm.s32 @p2 $0x1  }
0x17: {  	s4 =	simm.s32 $0x1BF5;
	[smem:$0x3FAF] =	sst s0  }
0x18: {  	s0 =	sld [smem:$0x3F92];
	_ =	swait.ge [sflag:s4], $0x0  }
0x19: {  	s7 =	sld [smem:$0x3F93]  }
0x1a: {  	s8 =	sadd.s32 $0xFFFFE003, lr  }
0x1b: {  	s9 =	sadd.s32 $0xFFFFFEF7, lr;
	s5 =	simm.s32 $0xFFFFFFFF;
	p2 =	slt.u32 s8, $0xFFFFF086  }
0x1c: {  	p1 =	slt.u32 s9, $0xF7A;
	s5 =	simm.s32 @!p2 $0x0  }
0x1d: {  	s5 =	simm.s32 @p1 $0x1;
	p0 =	seq.s32 s7, s2  }
0x1e: {  	s7 =	smul.u32 @!p0 $0xF7A, s2;
	p2 =	seq.s32 @!p0 s5, $0x0  }
0x1f: {  	s9 =	smul.u32 $0xF7A, s1;
	s8 =	simm.s32 @!p0 $0x1BF5;
	p2 =	por !p2, p0  }
0x20: {  	[sflag:s8] =	ssyncset.s32 @!p0 $0xFFFFF086;
	s6 =	sadd.s32 @!p0 s3, s7;
	s7 =	simm.s32 @!p0 $0x108  }
0x21: {  	s3 =	sadd.s32 s3, s9;
	s6 =	sadd.s32 @!p0 $0x88, s6;
	s7 =	simm.s32 @p2 $0x1082  }
0x22: {  	[simem:s7], [sflag:s8] =	dma.local @!p0 [hbm:s6], $0xF7A  }
0x23: {  	s9 =	sor.u32 $0xD0000000, s2;
	s6 =	simm.s32 $0x108;
	_ =	swait.ge @!p0 [sflag:s8], $0x0  }
0x24: {  	s3 =	sadd.s32 $0x88, s3;
	s6 =	simm.s32 @!p1 $0x1082;
	[sflag:s4] =	ssyncset.s32 $0xFFFFF086  }
0x25: {  	[simem:s6], [sflag:s4] =	dma.local [hbm:s3], $0xF7A  }
0x26: {  	[smem:$0x3F93] =	sst s1;
	(tag) =	ssettag s2;
	_ =	strace s9  }
0x27: {  	s1 =	sld [smem:$0x3FA3]  }
0x28: {  	s2 =	sld [smem:$0x3FA4]  }
0x29: {  	s4 =	sld [smem:$0x3FA6]  }
0x2a: {  	p0 =	seq.s32 s5, $0x0;
	s5 =	sld [smem:$0x3FA7]  }
0x2b: {  	s6 =	sld [smem:$0x3FA8]  }
0x2c: {  	s7 =	sld [smem:$0x3FA9]  }
0x2d: {  	s3 =	simm.s32 $0x108;
	s8 =	sld [smem:$0x3FAA]  }
0x2e: {  	s3 =	simm.s32 @!p0 $0x1082;
	s9 =	sld [smem:$0x3FAB]  }
0x2f: {  	lr =	sadd.s32 s0, s3;
	s0 =	sld [smem:$0x3FA2]  }
0x30: {  	s3 =	sld [smem:$0x3FA5]  }
0x31: {  	[smem:$0x3FAE] =	sst s10  }
0x32: {  	s10 =	sld [smem:$0x3FAC];
	_ =	sdelay $0x3  }
0x33: {  	p0 =	seq.s32 s10, $0x1;
	s10 =	sld [smem:$0x3FAE];
	_ =	sdelay $0x3  }
0x34: {  	[smem:$0x3FAE] =	sst s10  }
0x35: {  	s10 =	sld [smem:$0x3FAD];
	_ =	sdelay $0x3  }
0x36: {  	p1 =	seq.s32 s10, $0x1;
	s10 =	sld [smem:$0x3FAE];
	_ =	sdelay $0x3  }
0x37: {  	[smem:$0x3FAE] =	sst s10  }
0x38: {  	s10 =	sld [smem:$0x3FAF]  }
0x39: {  	_ = 	snop;
	(pc) =	sbr.ind lr, $3  }
0x3a: {  	_ = 	snop  }
0x3b: {  	_ = 	snop  }
0x3c: {  	p2 =	seq.s32 s10, $0x1;
	s10 =	sld [smem:$0x3FAE]  }
0x3d: {  	_ =	shalt  }
0x3e: {  	_ =	shalt  }
0x3f: {  	_ =	shalt  }
0x40: {  	_ =	shalt  }
0x41: {  	_ =	shalt  }
0x42: {  	_ =	shalt  }
0x43: {  	_ =	shalt  }
0x44: {  	_ =	shalt  }
0x45: {  	_ =	shalt  }
0x46: {  	_ =	shalt  }
0x47: {  	_ =	shalt  }
0x48: {  	_ =	shalt  }
0x49: {  	_ =	shalt  }
0x4a: {  	_ =	shalt  }
0x4b: {  	_ =	shalt  }
0x4c: {  	_ =	shalt  }
0x4d: {  	_ =	shalt  }
0x4e: {  	_ =	shalt  }
0x4f: {  	_ =	shalt  }
0x50: {  	_ =	shalt  }
0x51: {  	_ =	shalt  }
0x52: {  	_ =	shalt  }
0x53: {  	_ =	shalt  }
0x54: {  	_ =	shalt  }
0x55: {  	_ =	shalt  }
0x56: {  	_ =	shalt  }
0x57: {  	_ =	shalt  }
0x58: {  	_ =	shalt  }
0x59: {  	_ =	shalt  }
0x5a: {  	_ =	shalt  }
0x5b: {  	_ =	shalt  }
0x5c: {  	_ =	shalt  }
0x5d: {  	_ =	shalt  }
0x5e: {  	_ =	shalt  }
0x5f: {  	_ =	shalt  }
0x60: {  	_ =	shalt  }
0x61: {  	_ =	shalt  }
0x62: {  	_ =	shalt  }
0x63: {  	_ =	shalt  }
0x64: {  	_ =	shalt  }
0x65: {  	_ =	shalt  }
0x66: {  	_ =	shalt  }
0x67: {  	_ =	shalt  }
0x68: {  	_ =	shalt  }
0x69: {  	_ =	shalt  }
0x6a: {  	_ =	shalt  }
0x6b: {  	_ =	shalt  }
0x6c: {  	_ =	shalt  }
0x6d: {  	_ =	shalt  }
0x6e: {  	_ =	shalt  }
0x6f: {  	_ =	shalt  }
0x70: {  	_ =	shalt  }
0x71: {  	_ =	shalt  }
0x72: {  	_ =	shalt  }
0x73: {  	_ =	shalt  }
0x74: {  	_ =	shalt  }
0x75: {  	_ =	shalt  }
0x76: {  	_ =	shalt  }
0x77: {  	_ =	shalt  }
0x78: {  	_ =	shalt  }
0x79: {  	_ =	shalt  }
0x7a: {  	_ =	shalt  }
0x7b: {  	_ =	shalt  }
0x7c: {  	_ =	shalt  }
0x7d: {  	_ =	shalt  }
0x7e: {  	_ =	shalt  }
0x7f: {  	_ =	shalt  }
0x80: {  	_ =	shalt  }
0x81: {  	_ =	shalt  }
0x82: {  	_ =	shalt  }
0x83: {  	_ =	shalt  }
0x84: {  	_ =	shalt  }
0x85: {  	_ =	shalt  }
0x86: {  	_ =	shalt  }
0x87: {  	_ =	shalt  }
.Lfunc_end0:
.L_simem_size_0:
called_computation_lowered:
.L_overlay_start_0:
0x88: {  	s0 =	sld [smem:$0x3FD9]  }
0x89: {  	s1 =	sld [smem:$0x3FFE];
	_ =	sdelay $0x3  }
0x8a: {  	s0 =	sadd.s32 s1, s0  }
0x8b: {  	[smem:$0x3FBA] =	sst s0  }
0x8c: {  	_ = 	snop  }
0x8d: {  	s0 =	sld [smem:$0x3FC7];
	(tm) =	ssettm $0x1  }
0x8e: {  	s16 =	sld [smem:$0x3FFB];
	_ =	sdelay $0x3  }
0x8f: {  	_ =	strace s16  }
0x90: {  	s1 =	sld [smem:$0x3FFC];
	_ =	sdelay $0x3  }
0x91: {  	_ =	strace s1  }
0x92: {  	s1 =	sld [smem:$0x3FFD];
	_ =	sdelay $0x3  }
0x93: {  	_ =	strace s1  }
0x94: {  	_ =	strace $0x8FFFFFFF  }
0x95: {  	s17 =	sld [smem:$0x3FDB];
	_ =	sdelay $0x1  }
0x96: {  	s2 =	simm.s32 $_scs_section_size  }
0x97: {  	s3 =	simm.s32 $_size__tile_overlayer_lowered;
	s4 =	simm.s32 $_tile_overlayer_lowered  }
0x98: {  	s20 =	simm.s32 $0x1BFF;
	s19 =	sshll.u32 s4, $0x1;
	s1 =	sadd.s32 s2, s17  }
0x99: {  	s5 =	simm.s32 $0x0;
	s18 =	sshll.u32 s3, $0x1;
	s3 =	sadd.s32 s19, s1  }
0x9a: {  	[timem:s5], [sflag:s20] =	dma.local [hbm:s3], s18  }
0x9b: {  	_ =	swait.ge [sflag:s20], s18  }
0x9c: {  	s2 =	ssub.s32 $0x0, s18;
	[sflag:s20] =	ssyncset.done $0x0  }
0x9d: {  	[sflag:s20] =	ssyncadd.s32 s2;
	_ =	sdelay $0x1  }
0x9e: {  	s21 =	simm.s32 $0x1B8B  }
0x9f: {  	_ =	swait.ge [sflag:s21], $0x1  }
0xa0: {  	[sflag:s21] =	ssyncset.done $0x0  }
0xa1: {  	s23 =	simm.s32 $0x1B8E;
	s22 =	sld [smem:$0x3FFE];
	[sflag:s21] =	ssyncadd.s32 $0xFFFFFFFF  }
0xa2: {  	s24 =	simm.s32 $execute0_lowered;
	[smem:$0x3FD2] =	sst s23  }
0xa3: {  	s3 =	sshll.u32 s24, $0x1;
	_ =	strace $0x80000046;
	[dreg:$0x1] =	wrdreg $0xFFFFFFFF  }
0xa4: {  	s25 =	simm.s32 $_size_execute0_lowered;
	s1 =	sadd.s32 s1, s3;
	[dreg:$0x0] =	wrdreg $0x0  }
0xa5: {  	s3 =	sshll.u32 s25, $0x1;
	[dreg:$0x2] =	wrdreg s1  }
0xa6: {  	[dreg:$0x3] =	wrdreg s3  }
0xa7: {  	[dreg:$0x4] =	wrdreg $0xC0  }
0xa8: {  	_ =	task [dreg:s5], $0x5FFFF  }
0xa9: {  	[dreg:$0x1] =	wrdreg $0xFFFFFFFF  }
0xaa: {  	[dreg:$0x0] =	wrdreg $0x60  }
0xab: {  	[dreg:$0x2] =	wrdreg s22  }
0xac: {  	[dreg:$0x3] =	wrdreg s0  }
0xad: {  	[dreg:$0x4] =	wrdreg $0x9  }
0xae: {  	_ =	task.clear_ibuf [dreg:s5], $0x5FFFF;
	_ =	strace $0x90000046  }
0xaf: {  	s26 =	simm.s32 $0x9;
	_ =	strace $0x80000048  }
0xb0: {  	_ =	swait.ge [sflag:s26], $0x1  }
0xb1: {  	[sflag:s26] =	ssyncadd.s32 $0xFFFFFFFF  }
0xb2: {  	_ =	strace $0x90000048  }
0xb3: {  	_ =	sfence  }
0xb4: {  	s28 =	sld [smem:$0x0];
	_ =	sdelay $0x1  }
0xb5: {  	s29 =	srdreg.scid  }
0xb6: {  	s30 =	sshll.u32 s29, $0xD;
	s31 =	sshrl.u32 s29, $0x2  }
0xb7: {  	s2 =	sand.u32 $0x4000, s30;
	s1 =	sand.u32 $0x1, s29;
	s0 =	sadd.s32 s31, s28  }
0xb8: {  	s1 =	sor.u32 s2, s1;
	s0 =	sshll.u32 s0, $0x11  }
0xb9: {  	s0 =	sor.u32 s0, s1  }
0xba: {  	s0 =	sadd.s32 $0x8F2B, s0  }
0xbb: {  	[sflag:s0] =	ssyncadd.remote.s32 $0x1  }
0xbc: {  	_ =	sfence.sel $0xFFFF  }
0xbd: {  	[dreg:$0x0] =	wrdreg $0xFFFFFFFF;
	(pc) =	sbr.abs _section_cstart, $3  }
0xbe: {  	[dreg:$0x1] =	wrdreg $0xFFFFFFFF  }
0xbf: {  	_ =	task.clear_ibuf [dreg:s5], $0x2FFFF;
	_ =	strace $0x9FFFFFFF  }
0xc0: {  	(tm) =	ssettm $0x7FFFFFFF  }
0xc1: {  	_ =	shalt  }
tec
execute0_lowered:
.L_overlay_start_1:
0x0: {  	(tag) =	ssettag $0x1  }
0x1: {  	s1 =	stileid.u32  }
0x2: {  	p0 =	sgt.u32 s1, $0x4  }
.Ltmp0:
0x3: {  	_ = 	snop;
	(pc) =	sbr.rel @p0 .LBB2_4-.Ltmp0, $4  }
0x4: {  	s2 =	rddreg [dreg:$0x0]  }
0x5: {  	s3 =	rddreg [dreg:$0x1];
	s4 =	simm.s32 $0x0  }
0x6: {  	[smem:$0x7FF] =	sst s4  }
0x7: {  	s0 =	rddreg [dreg:$0x2];
	_ =	strace $0x80000047  }
0x8: {  	s5 =	sadd.s32 $0x1C00, s2;
	s6 =	sshll.u32 s1, $0x4  }
0x9: {  	s24 =	simm.s32 $0x2;
	s5 =	sadd.s32 s5, s6  }
0xa: {  	[tilespmem:s4], [sflag:$0x2] =	stream.linear.gather [hbm4b:s5+s4], $0x80, $0x38;
	[tilespmem:$0x1200] =	vst v63  }
0xb: {  	_ =	swait.ge [sflag:s24], $0x80  }
0xc: {  	s25 =	simm.s32 $0x21;
	[sflag:s24] =	ssyncset.done $0x0  }
0xd: {  	s26 =	simm.s32 $0x80;
	s28 =	simm.s32 $0x1;
	[sflag:s24] =	ssyncadd.s32 $0xFFFFFF80  }
0xe: {  	[tilespmem:s26], [sflag:$0x1] =	stream.indirect.gather [hbm4b:s3+s25], $0x80, s4, s25, $0xb8;
	[tilespmem:$0x1200] =	vst v63  }
0xf: {  	_ =	swait.ge [sflag:s28], $0x1080  }
0x10: {  	[sflag:s28] =	ssyncset.done $0x0  }
0x11: {  	[sflag:s28] =	ssyncadd.s32 $0xFFFFEF80  }
0x12: {  	v7 =	vld [tilespmem:$0x100]  }
0x13: {  	v11 =	vld [tilespmem:$0x110]  }
0x14: {  	v5 =	vld [tilespmem:$0x120]  }
0x15: {  	v4 =	vld [tilespmem:$0x130]  }
0x16: {  	v3 =	vld [tilespmem:$0x140]  }
0x17: {  	v2 =	vld [tilespmem:$0x150]  }
0x18: {  	v0 =	vld [tilespmem:$0x160]  }
0x19: {  	s29 =	simm.s32 $0x0;
	v1 =	vld [tilespmem:$0x170]  }
0x1a: {  	v6 =	vld [tilespmem:s29+$0x1F0]  }
0x1b: {  	v12 =	vld [tilespmem:s29+$0x180]  }
0x1c: {  	v13 =	vld [tilespmem:s29+$0x190]  }
0x1d: {  	v10 =	vld [tilespmem:s29+$0x1A0]  }
0x1e: {  	v9 =	vld [tilespmem:s29+$0x1B0]  }
0x1f: {  	s30 =	sshll.u32 s1, $0x5;
	v8 =	vld [tilespmem:s29+$0x1C0]  }
0x20: {  	s31 =	sadd.s32 s30, s2;
	v1 =	vadd.f32 v6, v1;
	v6 =	vld [tilespmem:s29+$0x1D0]  }
0x21: {  	s2 =	sadd.s32 $0x1E00, s31;
	s3 =	simm.s32 $0x80;
	s4 =	simm.s32 $0x400;
	v12 =	vadd.f32 v12, v7;
	v11 =	vadd.f32 v13, v11;
	v7 =	vld [tilespmem:s29+$0x1E0]  }
.LBB2_2:
0x22: {  	p0 =	sne.s32 s4, $0x3C00;
	v13 =	vld [tilespmem:s3+$0x1F0];
	v5 =	vadd.f32 v10, v5  }
0x23: {  	v14 =	vld [tilespmem:s3+$0x180];
	v4 =	vadd.f32 v9, v4  }
0x24: {  	v15 =	vld [tilespmem:s3+$0x190];
	v3 =	vadd.f32 v8, v3  }
.Ltmp1:
0x25: {  	v10 =	vld [tilespmem:s3+$0x1A0];
	v2 =	vadd.f32 v6, v2;
	(pc) =	sbr.rel @p0 .LBB2_2-.Ltmp1, $4  }
0x26: {  	v9 =	vld [tilespmem:s3+$0x1B0];
	v0 =	vadd.f32 v7, v0  }
0x27: {  	v8 =	vld [tilespmem:s3+$0x1C0];
	v1 =	vadd.f32 v13, v1  }
0x28: {  	v12 =	vadd.f32 v14, v12;
	v6 =	vld [tilespmem:s3+$0x1D0]  }
0x29: {  	v11 =	vadd.f32 v15, v11;
	v7 =	vld [tilespmem:s3+$0x1E0];
	s3 =	sshra.s32 s4, $0x2;
	s4 =	sadd.s32 $0x200, s4  }
0x2a: {  	v13 =	vld [tilespmem:s3+$0x1F0]  }
0x2b: {  	v14 =	vld [tilespmem:s3+$0x180]  }
0x2c: {  	v15 =	vld [tilespmem:s3+$0x190]  }
0x2d: {  	v16 =	vld [tilespmem:s3+$0x1A0]  }
0x2e: {  	v17 =	vld [tilespmem:s3+$0x1B0]  }
0x2f: {  	v18 =	vld [tilespmem:s3+$0x1C0]  }
0x30: {  	v19 =	vld [tilespmem:$0x80]  }
0x31: {  	v20 =	vld [tilespmem:s3+$0x1D0]  }
0x32: {  	v53 =	vld [tilespmem:$0x90]  }
0x33: {  	v21 =	vld [tilespmem:s3+$0x1E0]  }
0x34: {  	v56 =	vld [tilespmem:$0xA0]  }
0x35: {  	v58 =	vld [tilespmem:$0xB0]  }
0x36: {  	v59 =	vld [tilespmem:$0xC0]  }
0x37: {  	v60 =	vld [tilespmem:$0xD0];
	[tilespmem:$0x1100] =	vst v19  }
0x38: {  	v61 =	vld [tilespmem:$0xE0];
	[tilespmem:$0x1110] =	vst v53  }
0x39: {  	v62 =	vld [tilespmem:$0xF0];
	[tilespmem:$0x1120] =	vst v56  }
0x3a: {  	[tilespmem:$0x1130] =	vst v58  }
0x3b: {  	v5 =	vadd.f32 v10, v5;
	v12 =	vadd.f32 v14, v12;
	[tilespmem:$0x1140] =	vst v59  }
0x3c: {  	v4 =	vadd.f32 v9, v4;
	v54 =	vadd.f32 v15, v11;
	[tilespmem:$0x1150] =	vst v60  }
0x3d: {  	v3 =	vadd.f32 v8, v3;
	v5 =	vadd.f32 v16, v5;
	[tilespmem:$0x1160] =	vst v61;
	v55 =	vmul.f32 $3.125000000e-02, v12  }
0x3e: {  	v2 =	vadd.f32 v6, v2;
	v4 =	vadd.f32 v17, v4;
	[tilespmem:$0x1170] =	vst v62;
	v57 =	vmul.f32 $3.125000000e-02, v54  }
0x3f: {  	v3 =	vadd.f32 v18, v3;
	v5 =	vmul.f32 $3.125000000e-02, v5;
	[tilespmem:$0x1180] =	vst v55  }
0x40: {  	v0 =	vadd.f32 v7, v0;
	v2 =	vadd.f32 v20, v2;
	v4 =	vmul.f32 $3.125000000e-02, v4;
	[tilespmem:$0x1190] =	vst v57  }
0x41: {  	v1 =	vadd.f32 v13, v1;
	v3 =	vmul.f32 $3.125000000e-02, v3;
	[tilespmem:$0x11A0] =	vst v5  }
0x42: {  	v0 =	vadd.f32 v21, v0;
	v2 =	vmul.f32 $3.125000000e-02, v2;
	[tilespmem:$0x11B0] =	vst v4  }
0x43: {  	v63 =	vmul.f32 $3.125000000e-02, v1;
	[tilespmem:$0x11C0] =	vst v3  }
0x44: {  	v0 =	vmul.f32 $3.125000000e-02, v0;
	[tilespmem:$0x11D0] =	vst v2  }
0x45: {  	[tilespmem:$0x11F0] =	vst v63  }
0x46: {  	s30 =	simm.s32 $0x0;
	s4 =	simm.s32 $0x1100;
	s31 =	simm.s32 $0x2;
	[tilespmem:$0x11E0] =	vst v0  }
0x47: {  	[hbm4b:s2+s30] =	stream.linear.scatter [tilespmem:s4], [sflag:$0x2], $0x100, $0x38;
	[tilespmem:$0x1200] =	vst v63  }
0x48: {  	_ =	swait.ge [sflag:s31], $0x100  }
0x49: {  	[sflag:s31] =	ssyncset.done $0x0  }
0x4a: {  	[sflag:s31] =	ssyncadd.s32 $0xFFFFFF00  }
.LBB2_4:
0x4b: {  	_ =	sfence.sel $0x180000  }
0x4c: {  	[bflag:$0x0] =	sbarrier.arrive $0xFFFF  }
0x4d: {  	p0 =	sne.s32 s1, $0x0;
	_ =	strace $0x90000047  }
0x4e: {  	s0 =	sadd.s32 @!p0 $0x100000, s0;
	[bflag:$0x2] =	sbarrier.arrive $0xFFFF  }
0x4f: {  	[sflag:s0] =	ssyncadd.tile.s32 @!p0 $0x1;
	_ =	shalt  }
.Lfunc_end2:
_tile_overlayer_lowered:
.L_overlay_start_2:
0x50: {  	(tag) =	ssettag $0x2  }
0x51: {  	s0 =	rddreg [dreg:$0x0];
	s2 =	stileid.u32  }
0x52: {  	s1 =	rddreg [dreg:$0x1];
	p0 =	sne.s32 s2, $0x0  }
0x53: {  	s3 =	rddreg [dreg:$0x2];
	[bflag:$0x3] =	sbarrier.arrive $0xFFFF;
	s2 =	simm.s32 @!p0 $0x1C02  }
0x54: {  	[timem:s3], [sflag:s2] =	dma.local @!p0 [hbm:s0], s1  }
0x55: {  	s0 =	simm.s32 @!p0 $0x2  }
0x56: {  	_ =	swait.ge @!p0 [sflag:s0], s1  }
0x57: {  	s1 =	ssub.s32 @!p0 $0x0, s1;
	[sflag:s0] =	ssyncset.done @!p0 $0x0  }
0x58: {  	[sflag:s0] =	ssyncadd.s32 @!p0 s1  }
0x59: {  	[bflag:$0x3] =	sbarrier.arrive $0xFFFF  }
0x5a: {  	_ =	shalt  }

</sc_bundles>
